<compile_context>
chip_gen: v7x
topology: tpu7x:2x2x1
jax: 0.10.2.dev20260603
libtpu: 0.0.44.dev20260713+nightly
codegen_flags: <defaults>
</compile_context>

<pallas_src>
import functools

import jax
import jax.numpy as jnp
from jax import lax
from jax.experimental import pallas as pl
from jax.experimental.pallas import tpu as pltpu
from jax.experimental.pallas import tpu_sc as plsc

N = 10000
NPAD = 10240
DUMMY = N
D = 64
DH = D // 2
NS = 16
ROWS_PT = NPAD // NS
CHUNK = 128
GS = 2
GE = GS * CHUNK
NB = 2
NG = 80
EPT = NG * GE
K_HALF = 5

_sc_mesh = plsc.VectorSubcoreMesh(
    core_axis_name="c", subcore_axis_name="s", num_cores=2
)


def _mlp_body(x_ref, w1_ref, b1_ref, w2_ref, b2_ref, o_ref):
    h = jnp.dot(x_ref[...], w1_ref[...], preferred_element_type=jnp.float32)
    h = jnp.maximum(h + b1_ref[...], 0.0)
    h = jnp.dot(h, w2_ref[...], preferred_element_type=jnp.float32)
    o_ref[...] = h + b2_ref[...]


def _mlp(x_pad, W1t, b1, W2t, b2):
    blk = 1024
    grid = NPAD // blk
    return pl.pallas_call(
        _mlp_body,
        grid=(grid,),
        in_specs=[
            pl.BlockSpec((blk, 128), lambda i: (i, 0)),
            pl.BlockSpec((128, D), lambda i: (0, 0)),
            pl.BlockSpec((1, D), lambda i: (0, 0)),
            pl.BlockSpec((D, D), lambda i: (0, 0)),
            pl.BlockSpec((1, D), lambda i: (0, 0)),
        ],
        out_specs=pl.BlockSpec((blk, D), lambda i: (i, 0)),
        out_shape=jax.ShapeDtypeStruct((NPAD, D), jnp.float32),
    )(x_pad, W1t, b1, W2t, b2)


@functools.partial(
    pl.kernel,
    out_type=[
        jax.ShapeDtypeStruct((2, K_HALF, NPAD, DH), jnp.float32),
    ],
    mesh=_sc_mesh,
    scratch_types=[
        pltpu.VMEM((NG, GE), jnp.int32),
        pltpu.VMEM((NG, GE), jnp.int32),
        pltpu.VMEM((GE, DH), jnp.float32),
        pltpu.VMEM((GE, DH), jnp.float32),
        pltpu.VMEM((ROWS_PT, DH), jnp.float32),
        pltpu.VMEM((ROWS_PT, 16), jnp.float32),
        pltpu.VMEM_SHARED((NPAD, DH), jnp.float32),
        pltpu.VMEM_SHARED((NPAD, DH), jnp.float32),
        pltpu.SemaphoreType.DMA,
        pltpu.SemaphoreType.DMA,
        pltpu.SemaphoreType.DMA,
        pltpu.SemaphoreType.DMA,
    ],
    compiler_params=pltpu.CompilerParams(use_tc_tiling_on_sc=False),
)
def _sc_prop(h_hbm, src_hbm, dst_hbm, srcw_hbm, zs_hbm,
             src_v, dst_v, stage0_v, stage1_v,
             work_v, dis_v, acc_sh, u_sh, gsem0, gsem1, ssem0, ssem1):
    cid = lax.axis_index("c")
    sid = lax.axis_index("s")
    base = sid * ROWS_PT
    sl = pl.ds(base, ROWS_PT)

    stages = (stage0_v, stage1_v)
    gsems = (gsem0, gsem1)
    ssems = (ssem0, ssem1)
    uref = u_sh
    one16 = jnp.zeros((16,), jnp.float32) + 1.0
    z16 = jnp.zeros((16,), jnp.float32)

    pltpu.sync_copy(src_hbm.at[sid], src_v)
    pltpu.sync_copy(srcw_hbm.at[sid], dst_v)

    def zero_work(r, _):
        row = work_v.at[r]
        for j in range(DH // 16):
            row[pl.ds(j * 16, 16)] = z16
        return 0

    lax.fori_loop(0, ROWS_PT, zero_work, 0)
    pltpu.sync_copy(work_v, acc_sh.at[sl])

    def fill_ones(r, _):
        row = stage0_v.at[r]
        for j in range(DH // 16):
            row[pl.ds(j * 16, 16)] = one16
        return 0

    lax.fori_loop(0, GE, fill_ones, 0)
    plsc.subcore_barrier()

    def deg_pair(g2, _):
        @pl.when(g2 > 0)
        def _():
            for b in range(NB):
                pltpu.make_async_copy(
                    stage0_v, acc_sh.at[dst_v.at[0]], ssems[b]
                ).wait()

        for b in range(NB):
            pltpu.async_copy(
                stage0_v, acc_sh.at[dst_v.at[g2 * NB + b]], ssems[b], add=True
            )
        return 0

    lax.fori_loop(0, NG // NB, deg_pair, 0)
    for b in range(NB):
        pltpu.make_async_copy(stage0_v, acc_sh.at[dst_v.at[0]], ssems[b]).wait()
    plsc.subcore_barrier()

    pltpu.sync_copy(dst_hbm.at[sid], dst_v)

    pltpu.sync_copy(acc_sh.at[sl], work_v)

    def dis_body(r, _):
        deg16 = work_v.at[r][pl.ds(0, 16)]
        d = jnp.where(deg16 > 0.0, deg16, 1.0)
        s = 0.5 * (d + 1.0)
        for _ in range(12):
            s = 0.5 * (s + d / s)
        dis_v.at[r][pl.ds(0, 16)] = jnp.where(deg16 > 0.0, 1.0 / s, 0.0)
        return 0

    lax.fori_loop(0, ROWS_PT, dis_body, 0)

    lax.fori_loop(0, ROWS_PT, zero_work, 0)
    pltpu.sync_copy(work_v, acc_sh.at[sl])

    def scale_body(r, _):
        row = work_v.at[r]
        s16 = dis_v.at[r][pl.ds(0, 16)]
        for j in range(DH // 16):
            row[pl.ds(j * 16, 16)] = row[pl.ds(j * 16, 16)] * s16
        return 0

    pltpu.sync_copy(h_hbm.at[cid, sl], work_v)
    lax.fori_loop(0, ROWS_PT, scale_body, 0)
    pltpu.sync_copy(work_v, uref.at[sl])
    plsc.subcore_barrier()

    def round_body(step, _):
        def edge_group(g, _):
            @pl.when(g > 0)
            def _():
                for b in range(NB):
                    pltpu.make_async_copy(
                        stages[b], acc_sh.at[dst_v.at[0]], ssems[b]
                    ).wait()

            for b in range(NB):
                pltpu.async_copy(
                    uref.at[src_v.at[g * NB + b]], stages[b], gsems[b]
                )
            for b in range(NB):
                pltpu.make_async_copy(
                    uref.at[src_v.at[g * NB + b]], stages[b], gsems[b]
                ).wait()
                pltpu.async_copy(
                    stages[b], acc_sh.at[dst_v.at[g * NB + b]], ssems[b],
                    add=True,
                )
            return 0

        lax.fori_loop(0, NG // NB, edge_group, 0)
        for b in range(NB):
            pltpu.make_async_copy(
                stages[b], acc_sh.at[dst_v.at[0]], ssems[b]
            ).wait()
        plsc.subcore_barrier()

        pltpu.sync_copy(acc_sh.at[sl], work_v)
        lax.fori_loop(0, ROWS_PT, scale_body, 0)

        @pl.when(step % 2 == 0)
        def _():
            k = step // 2 - 1
            pltpu.sync_copy(work_v, zs_hbm.at[cid, k, sl])

        @pl.when(step < 10)
        def _():
            lax.fori_loop(0, ROWS_PT, scale_body, 0)
            pltpu.sync_copy(work_v, uref.at[sl])
            lax.fori_loop(0, ROWS_PT, zero_work, 0)
            pltpu.sync_copy(work_v, acc_sh.at[sl])

        plsc.subcore_barrier()
        return 0

    lax.fori_loop(1, 11, round_body, 0)


def _final_body(temp_ref, h_ref, zs_ref, o_ref):
    acc = temp_ref[0] * h_ref[...]
    for k in range(K_HALF):
        zk = jnp.concatenate([zs_ref[0, k], zs_ref[1, k]], axis=1)
        acc = acc + temp_ref[k + 1] * zk
    m = jnp.max(acc, axis=1, keepdims=True)
    e = jnp.exp(acc - m)
    lse = jnp.log(jnp.sum(e, axis=1, keepdims=True))
    o_ref[...] = acc - m - lse


def _final(temp, h_pad, zs):
    blk = 1000
    grid = N // blk
    return pl.pallas_call(
        _final_body,
        grid=(grid,),
        in_specs=[
            pl.BlockSpec(memory_space=pltpu.MemorySpace.SMEM),
            pl.BlockSpec((blk, D), lambda i: (i, 0)),
            pl.BlockSpec((2, K_HALF, blk, DH), lambda i: (0, 0, i, 0)),
        ],
        out_specs=pl.BlockSpec((blk, D), lambda i: (i, 0)),
        out_shape=jax.ShapeDtypeStruct((N, D), jnp.float32),
    )(temp, h_pad, zs)


def kernel(x, edge_index, W1, b1, W2, b2, temp):
    row = edge_index[0].astype(jnp.int32)
    col = edge_index[1].astype(jnp.int32)
    is_loop = row == col
    pad_e = NS * EPT - row.shape[0]

    src = jnp.pad(row, (0, pad_e)).reshape(NS, NG, GE)
    dst = jnp.pad(jnp.where(is_loop, DUMMY, col), (0, pad_e),
                  constant_values=DUMMY).reshape(NS, NG, GE)
    srcw = jnp.pad(jnp.where(is_loop, DUMMY, row), (0, pad_e),
                   constant_values=DUMMY).reshape(NS, NG, GE)

    x_pad = jnp.pad(x, ((0, NPAD - N), (0, 0)))
    h_pad = _mlp(x_pad, W1.T, b1.reshape(1, D), W2.T, b2.reshape(1, D))
    h2 = jnp.stack([h_pad[:, :DH], h_pad[:, DH:]])
    (zs,) = _sc_prop(h2, src, dst, srcw)
    return _final(temp, h_pad, zs)

# --- scband reference (transcript-rebuilt; emitter-appended) ---
"""Pipeline reference for scband-even-net-70188355551843 (READ-ONLY COPY).

The authoritative reference and input builder live on the scoring server;
editing this copy changes nothing except your own understanding.
"""

import jax, jax.numpy as jnp
import numpy as np

N = 10000
E = 320000
IN_C = 128
HID = 64
OUT_C = 64
K = 10
ALPHA = 0.1


def setup_inputs(seed: int = 0) -> dict:
    key = jax.random.key(seed)
    k1, k2, k3, k4, k5, k6 = jax.random.split(key, 6)
    x = jax.random.normal(k1, (N, IN_C), dtype=jnp.float32)
    edge_index = jax.random.randint(k2, (2, E), 0, N, dtype=jnp.int32)
    W1 = jax.random.normal(k3, (HID, IN_C), dtype=jnp.float32) * (1.0 / np.sqrt(IN_C))
    b1 = jnp.zeros((HID,), dtype=jnp.float32)
    W2 = jax.random.normal(k4, (OUT_C, HID), dtype=jnp.float32) * (1.0 / np.sqrt(HID))
    b2 = jnp.zeros((OUT_C,), dtype=jnp.float32)
    temp = jnp.asarray(ALPHA * (1.0 - ALPHA) ** (2 * np.arange(K // 2 + 1)), dtype=jnp.float32)
    return {"x": x, "edge_index": edge_index, "W1": W1, "b1": b1, "W2": W2, "b2": b2, "temp": temp}


def reference(x, edge_index, W1, b1, W2, b2, temp):
    num_nodes = x.shape[0]
    # MLP (dropout is identity in eval mode)
    h = jax.nn.relu(x @ W1.T + b1)
    h = h @ W2.T + b2
    # --- Even_prop ---
    row, col = edge_index[0], edge_index[1]
    # remove_self_loops equivalent: zero their weight
    w = jnp.where(row == col, 0.0, 1.0).astype(h.dtype)
    deg = jnp.zeros((num_nodes,), dtype=h.dtype).at[row].add(w)
    deg_safe = jnp.where(deg > 0, deg, 1.0)
    dis = jnp.where(deg > 0, deg_safe ** -0.5, 0.0)
    a_norm = dis[row] * w * dis[col]  # D^-1/2 A D^-1/2 edge weights
    # get_laplacian sym: edge_index1=[edges, self-loops], norm1=[-a_norm, +1]
    # add_self_loops(edge_index1, -norm1, fill=1): edge_index2=[edges, loops, loops], norm2=[a_norm, -1, +1]
    loop = jnp.arange(num_nodes, dtype=row.dtype)
    src = jnp.concatenate([row, loop, loop])
    dst = jnp.concatenate([col, loop, loop])
    norm2 = jnp.concatenate([a_norm, -jnp.ones((num_nodes,), h.dtype), jnp.ones((num_nodes,), h.dtype)])

    def propagate(z):
        msg = norm2[:, None] * z[src]
        return jnp.zeros_like(z).at[dst].add(msg)

    k_half = K // 2
    hidden = h * temp[0]
    z = h
    for k in range(k_half):
        z = propagate(z)
        z = propagate(z)
        hidden = hidden + temp[k + 1] * z
    return jax.nn.log_softmax(hidden, axis=1)

if __name__ == "__main__":
    import jax
    _d = setup_inputs()
    print(jax.jit(kernel)(*tuple(_d.values())))

</pallas_src>

<mosaic_0001>
#map = affine_map<(d0, d1) -> (0, 0, 0)>
#map1 = affine_map<(d0, d1) -> (0, 0, 0, 0)>
module attributes {stable_mosaic.version = 14 : i64} {
  func.func @_sc_prop(%arg0: i32, %arg1: i32, %arg2: memref<2x10240x32xf32, #tpu.memory_space<hbm>>, %arg3: memref<16x80x256xi32, #tpu.memory_space<hbm>>, %arg4: memref<16x80x256xi32, #tpu.memory_space<hbm>>, %arg5: memref<16x80x256xi32, #tpu.memory_space<hbm>>, %arg6: memref<2x5x10240x32xf32, #tpu.memory_space<hbm>>, %arg7: memref<80x256xi32, #tpu.memory_space<vmem>>, %arg8: memref<80x256xi32, #tpu.memory_space<vmem>>, %arg9: memref<256x32xf32, #tpu.memory_space<vmem>>, %arg10: memref<256x32xf32, #tpu.memory_space<vmem>>, %arg11: memref<640x32xf32, #tpu.memory_space<vmem>>, %arg12: memref<640x16xf32, #tpu.memory_space<vmem>>, %arg13: memref<10240x32xf32, #tpu.memory_space<vmem_shared>>, %arg14: memref<10240x32xf32, #tpu.memory_space<vmem_shared>>, %arg15: memref<!tpu.dma_semaphore, #tpu.memory_space<semaphore_mem>>, %arg16: memref<!tpu.dma_semaphore, #tpu.memory_space<semaphore_mem>>, %arg17: memref<!tpu.dma_semaphore, #tpu.memory_space<semaphore_mem>>, %arg18: memref<!tpu.dma_semaphore, #tpu.memory_space<semaphore_mem>>) attributes {dimension_semantics = [#tpu.dimension_semantics<core_parallel>, #tpu.dimension_semantics<subcore_parallel>], iteration_bounds = array<i64: 2, 16>, scalar_prefetch = 0 : i64, scratch_operands = 12 : i64, tpu.core_type = #tpu.core_type<sc_vector_subcore>, window_params = [{transform_indices = #map}, {transform_indices = #map}, {transform_indices = #map}, {transform_indices = #map}, {transform_indices = #map1}]} {
    %mul3A = arith.constant 640 : i32
    %mul3A_0 = arith.muli %arg1, %mul3A : i32
    %broadcast_in_dim3A = arith.constant 0.000000e+00 : f32
    %broadcast_in_dim3A_1 = vector.broadcast %broadcast_in_dim3A : f32 to vector<16xf32>
    %add3A = arith.constant 1.000000e+00 : f32
    %add3A_2 = vector.broadcast %add3A : f32 to vector<16xf32>
    %add3A_3 = arith.addf %broadcast_in_dim3A_1, %add3A_2 : vector<16xf32>
    %broadcast_in_dim3A_4 = arith.constant 0.000000e+00 : f32
    %broadcast_in_dim3A_5 = vector.broadcast %broadcast_in_dim3A_4 : f32 to vector<16xf32>
    "tpu.region"() ({
      %run_scoped3A = tpu.sem_alloc : memref<!tpu.dma_semaphore, #tpu.memory_space<semaphore_mem>>
      %dma_start3A = arith.constant 0 : i32
      %dma_start3A_69 = arith.constant 0 : i32
      %dma_start3A_70 = tpu.memref_slice %arg3[%arg1, %dma_start3A, %dma_start3A_69] : memref<16x80x256xi32, #tpu.memory_space<hbm>> -> memref<1x80x256xi32, #tpu.memory_space<hbm>>
      %dma_start3A_71 = tpu.memref_squeeze %dma_start3A_70 : memref<1x80x256xi32, #tpu.memory_space<hbm>> -> memref<80x256xi32, #tpu.memory_space<hbm>>
      %dma_start3A_72 = arith.constant 0 : i32
      %dma_start3A_73 = arith.constant 0 : i32
      %dma_start3A_74 = tpu.memref_slice %arg3[%arg1, %dma_start3A_72, %dma_start3A_73] : memref<16x80x256xi32, #tpu.memory_space<hbm>> -> memref<1x80x256xi32, #tpu.memory_space<hbm>>
      %dma_start3A_75 = tpu.memref_squeeze %dma_start3A_74 : memref<1x80x256xi32, #tpu.memory_space<hbm>> -> memref<80x256xi32, #tpu.memory_space<hbm>>
      tpu.enqueue_dma source(%dma_start3A_75 : memref<80x256xi32, #tpu.memory_space<hbm>>) target(%arg7 : memref<80x256xi32, #tpu.memory_space<vmem>>) target_semaphore(%run_scoped3A : memref<!tpu.dma_semaphore, #tpu.memory_space<semaphore_mem>>)
      %dma_wait3A_76 = arith.constant 0 : i32
      %dma_wait3A_77 = arith.constant 0 : i32
      %dma_wait3A_78 = tpu.memref_slice %arg3[%arg1, %dma_wait3A_76, %dma_wait3A_77] : memref<16x80x256xi32, #tpu.memory_space<hbm>> -> memref<1x80x256xi32, #tpu.memory_space<hbm>>
      %dma_wait3A_79 = tpu.memref_squeeze %dma_wait3A_78 : memref<1x80x256xi32, #tpu.memory_space<hbm>> -> memref<80x256xi32, #tpu.memory_space<hbm>>
      %dma_wait3A_80 = arith.constant 0 : i32
      %dma_wait3A_81 = arith.constant 0 : i32
      %dma_wait3A_82 = tpu.memref_slice %arg3[%arg1, %dma_wait3A_80, %dma_wait3A_81] : memref<16x80x256xi32, #tpu.memory_space<hbm>> -> memref<1x80x256xi32, #tpu.memory_space<hbm>>
      %dma_wait3A_83 = tpu.memref_squeeze %dma_wait3A_82 : memref<1x80x256xi32, #tpu.memory_space<hbm>> -> memref<80x256xi32, #tpu.memory_space<hbm>>
      tpu.wait_dma2 semaphore(%run_scoped3A : memref<!tpu.dma_semaphore, #tpu.memory_space<semaphore_mem>>) src(%dma_wait3A_83 : memref<80x256xi32, #tpu.memory_space<hbm>>) dst(%arg7 : memref<80x256xi32, #tpu.memory_space<vmem>>)
      tpu.yield
    }) : () -> ()
    "tpu.region"() ({
      %run_scoped3A = tpu.sem_alloc : memref<!tpu.dma_semaphore, #tpu.memory_space<semaphore_mem>>
      %dma_start3A = arith.constant 0 : i32
      %dma_start3A_69 = arith.constant 0 : i32
      %dma_start3A_70 = tpu.memref_slice %arg5[%arg1, %dma_start3A, %dma_start3A_69] : memref<16x80x256xi32, #tpu.memory_space<hbm>> -> memref<1x80x256xi32, #tpu.memory_space<hbm>>
      %dma_start3A_71 = tpu.memref_squeeze %dma_start3A_70 : memref<1x80x256xi32, #tpu.memory_space<hbm>> -> memref<80x256xi32, #tpu.memory_space<hbm>>
      %dma_start3A_72 = arith.constant 0 : i32
      %dma_start3A_73 = arith.constant 0 : i32
      %dma_start3A_74 = tpu.memref_slice %arg5[%arg1, %dma_start3A_72, %dma_start3A_73] : memref<16x80x256xi32, #tpu.memory_space<hbm>> -> memref<1x80x256xi32, #tpu.memory_space<hbm>>
      %dma_start3A_75 = tpu.memref_squeeze %dma_start3A_74 : memref<1x80x256xi32, #tpu.memory_space<hbm>> -> memref<80x256xi32, #tpu.memory_space<hbm>>
      tpu.enqueue_dma source(%dma_start3A_75 : memref<80x256xi32, #tpu.memory_space<hbm>>) target(%arg8 : memref<80x256xi32, #tpu.memory_space<vmem>>) target_semaphore(%run_scoped3A : memref<!tpu.dma_semaphore, #tpu.memory_space<semaphore_mem>>)
      %dma_wait3A_76 = arith.constant 0 : i32
      %dma_wait3A_77 = arith.constant 0 : i32
      %dma_wait3A_78 = tpu.memref_slice %arg5[%arg1, %dma_wait3A_76, %dma_wait3A_77] : memref<16x80x256xi32, #tpu.memory_space<hbm>> -> memref<1x80x256xi32, #tpu.memory_space<hbm>>
      %dma_wait3A_79 = tpu.memref_squeeze %dma_wait3A_78 : memref<1x80x256xi32, #tpu.memory_space<hbm>> -> memref<80x256xi32, #tpu.memory_space<hbm>>
      %dma_wait3A_80 = arith.constant 0 : i32
      %dma_wait3A_81 = arith.constant 0 : i32
      %dma_wait3A_82 = tpu.memref_slice %arg5[%arg1, %dma_wait3A_80, %dma_wait3A_81] : memref<16x80x256xi32, #tpu.memory_space<hbm>> -> memref<1x80x256xi32, #tpu.memory_space<hbm>>
      %dma_wait3A_83 = tpu.memref_squeeze %dma_wait3A_82 : memref<1x80x256xi32, #tpu.memory_space<hbm>> -> memref<80x256xi32, #tpu.memory_space<hbm>>
      tpu.wait_dma2 semaphore(%run_scoped3A : memref<!tpu.dma_semaphore, #tpu.memory_space<semaphore_mem>>) src(%dma_wait3A_83 : memref<80x256xi32, #tpu.memory_space<hbm>>) dst(%arg8 : memref<80x256xi32, #tpu.memory_space<vmem>>)
      tpu.yield
    }) : () -> ()
    %scan3A = arith.constant 0 : i32
    %scan3A_6 = arith.constant 0 : i32
    %scan3A_7 = arith.constant 640 : i32
    %scan3A_8 = arith.addi %scan3A_6, %scan3A_7 : i32
    %scan3A_9 = arith.constant 1 : i32
    %scan3A_10 = scf.for %scan3A_69 = %scan3A_6 to %scan3A_8 step %scan3A_9 iter_args(%scan3A_70 = %scan3A) -> (i32)  : i32 {
      %swap3A = arith.constant 0 : i32
      %swap3A_71 = tpu.memref_slice %arg11[%scan3A_69, %swap3A] : memref<640x32xf32, #tpu.memory_space<vmem>> -> memref<1x32xf32, #tpu.memory_space<vmem>>
      %swap3A_72 = tpu.memref_squeeze %swap3A_71 : memref<1x32xf32, #tpu.memory_space<vmem>> -> memref<32xf32, #tpu.memory_space<vmem>>
      %swap3A_73 = arith.constant 0 : index
      %swap3A_74 = tpu.vector_load %swap3A_72[%swap3A_73] {strides = array<i32>} : memref<32xf32, #tpu.memory_space<vmem>>, vector<16xf32>,
      %swap3A_75 = vector.shape_cast %swap3A_74 : vector<16xf32> to vector<16xf32>
      %swap3A_76 = vector.shape_cast %broadcast_in_dim3A_5 : vector<16xf32> to vector<16xf32>
      tpu.vector_store %swap3A_72[%swap3A_73], %swap3A_76 {strides = array<i32>} : memref<32xf32, #tpu.memory_space<vmem>>, vector<16xf32>,
      %swap3A_77 = arith.constant 0 : i32
      %swap3A_78 = tpu.memref_slice %arg11[%scan3A_69, %swap3A_77] : memref<640x32xf32, #tpu.memory_space<vmem>> -> memref<1x32xf32, #tpu.memory_space<vmem>>
      %swap3A_79 = tpu.memref_squeeze %swap3A_78 : memref<1x32xf32, #tpu.memory_space<vmem>> -> memref<32xf32, #tpu.memory_space<vmem>>
      %swap3A_80 = arith.constant 16 : index
      %swap3A_81 = tpu.vector_load %swap3A_79[%swap3A_80] {strides = array<i32>} : memref<32xf32, #tpu.memory_space<vmem>>, vector<16xf32>,
      %swap3A_82 = vector.shape_cast %swap3A_81 : vector<16xf32> to vector<16xf32>
      %swap3A_83 = vector.shape_cast %broadcast_in_dim3A_5 : vector<16xf32> to vector<16xf32>
      tpu.vector_store %swap3A_79[%swap3A_80], %swap3A_83 {strides = array<i32>} : memref<32xf32, #tpu.memory_space<vmem>>, vector<16xf32>,
      %scan3A_84 = arith.constant 0 : i32
      scf.yield %scan3A_84 : i32
    }
    %scan3A_11 = arith.constant 640 : i32
    "tpu.region"() ({
      %run_scoped3A = tpu.sem_alloc : memref<!tpu.dma_semaphore, #tpu.memory_space<semaphore_mem>>
      %dma_start3A = arith.constant 0 : i32
      %dma_start3A_69 = tpu.memref_slice %arg13[%mul3A_0, %dma_start3A] : memref<10240x32xf32, #tpu.memory_space<vmem_shared>> -> memref<640x32xf32, #tpu.memory_space<vmem_shared>>
      %dma_start3A_70 = arith.constant 0 : i32
      %dma_start3A_71 = tpu.memref_slice %arg13[%mul3A_0, %dma_start3A_70] : memref<10240x32xf32, #tpu.memory_space<vmem_shared>> -> memref<640x32xf32, #tpu.memory_space<vmem_shared>>
      tpu.enqueue_dma source(%arg11 : memref<640x32xf32, #tpu.memory_space<vmem>>) target(%dma_start3A_71 : memref<640x32xf32, #tpu.memory_space<vmem_shared>>) target_semaphore(%run_scoped3A : memref<!tpu.dma_semaphore, #tpu.memory_space<semaphore_mem>>)
      %dma_wait3A_72 = arith.constant 0 : i32
      %dma_wait3A_73 = tpu.memref_slice %arg13[%mul3A_0, %dma_wait3A_72] : memref<10240x32xf32, #tpu.memory_space<vmem_shared>> -> memref<640x32xf32, #tpu.memory_space<vmem_shared>>
      %dma_wait3A_74 = arith.constant 0 : i32
      %dma_wait3A_75 = tpu.memref_slice %arg13[%mul3A_0, %dma_wait3A_74] : memref<10240x32xf32, #tpu.memory_space<vmem_shared>> -> memref<640x32xf32, #tpu.memory_space<vmem_shared>>
      tpu.wait_dma2 semaphore(%run_scoped3A : memref<!tpu.dma_semaphore, #tpu.memory_space<semaphore_mem>>) src(%arg11 : memref<640x32xf32, #tpu.memory_space<vmem>>) dst(%dma_wait3A_75 : memref<640x32xf32, #tpu.memory_space<vmem_shared>>)
      tpu.yield
    }) : () -> ()
    %scan3A_12 = arith.constant 0 : i32
    %scan3A_13 = arith.constant 0 : i32
    %scan3A_14 = arith.constant 256 : i32
    %scan3A_15 = arith.addi %scan3A_13, %scan3A_14 : i32
    %scan3A_16 = arith.constant 1 : i32
    %scan3A_17 = scf.for %scan3A_69 = %scan3A_13 to %scan3A_15 step %scan3A_16 iter_args(%scan3A_70 = %scan3A_12) -> (i32)  : i32 {
      %swap3A = arith.constant 0 : i32
      %swap3A_71 = tpu.memref_slice %arg9[%scan3A_69, %swap3A] : memref<256x32xf32, #tpu.memory_space<vmem>> -> memref<1x32xf32, #tpu.memory_space<vmem>>
      %swap3A_72 = tpu.memref_squeeze %swap3A_71 : memref<1x32xf32, #tpu.memory_space<vmem>> -> memref<32xf32, #tpu.memory_space<vmem>>
      %swap3A_73 = arith.constant 0 : index
      %swap3A_74 = tpu.vector_load %swap3A_72[%swap3A_73] {strides = array<i32>} : memref<32xf32, #tpu.memory_space<vmem>>, vector<16xf32>,
      %swap3A_75 = vector.shape_cast %swap3A_74 : vector<16xf32> to vector<16xf32>
      %swap3A_76 = vector.shape_cast %add3A_3 : vector<16xf32> to vector<16xf32>
      tpu.vector_store %swap3A_72[%swap3A_73], %swap3A_76 {strides = array<i32>} : memref<32xf32, #tpu.memory_space<vmem>>, vector<16xf32>,
      %swap3A_77 = arith.constant 0 : i32
      %swap3A_78 = tpu.memref_slice %arg9[%scan3A_69, %swap3A_77] : memref<256x32xf32, #tpu.memory_space<vmem>> -> memref<1x32xf32, #tpu.memory_space<vmem>>
      %swap3A_79 = tpu.memref_squeeze %swap3A_78 : memref<1x32xf32, #tpu.memory_space<vmem>> -> memref<32xf32, #tpu.memory_space<vmem>>
      %swap3A_80 = arith.constant 16 : index
      %swap3A_81 = tpu.vector_load %swap3A_79[%swap3A_80] {strides = array<i32>} : memref<32xf32, #tpu.memory_space<vmem>>, vector<16xf32>,
      %swap3A_82 = vector.shape_cast %swap3A_81 : vector<16xf32> to vector<16xf32>
      %swap3A_83 = vector.shape_cast %add3A_3 : vector<16xf32> to vector<16xf32>
      tpu.vector_store %swap3A_79[%swap3A_80], %swap3A_83 {strides = array<i32>} : memref<32xf32, #tpu.memory_space<vmem>>, vector<16xf32>,
      %scan3A_84 = arith.constant 0 : i32
      scf.yield %scan3A_84 : i32
    }
    %scan3A_18 = arith.constant 256 : i32
    %barrier3A = arith.constant 0 : index
    tpu.barrier barrier_id(%barrier3A)
    %scan3A_19 = arith.constant 0 : i32
    %scan3A_20 = arith.constant 0 : i32
    %scan3A_21 = arith.constant 40 : i32
    %scan3A_22 = arith.addi %scan3A_20, %scan3A_21 : i32
    %scan3A_23 = arith.constant 1 : i32
    %scan3A_24 = scf.for %scan3A_69 = %scan3A_20 to %scan3A_22 step %scan3A_23 iter_args(%scan3A_70 = %scan3A_19) -> (i32)  : i32 {
      %gt3A = arith.constant 0 : i32
      %gt3A_71 = arith.cmpi sgt, %scan3A_69, %gt3A : i32
      %convert_element_type3A = arith.extui %gt3A_71 : i1 to i32
      %cond3A = arith.constant 0 : i32
      %cond3A_72 = arith.cmpi ne, %convert_element_type3A, %cond3A : i32
      scf.if %cond3A_72 {
        %dma_wait3A_93 = arith.constant 0 : i32
        %dma_wait3A_94 = arith.constant 0 : i32
        %dma_wait3A_95 = tpu.memref_slice %arg8[%dma_wait3A_93, %dma_wait3A_94] : memref<80x256xi32, #tpu.memory_space<vmem>> -> memref<1x256xi32, #tpu.memory_space<vmem>>
        %dma_wait3A_96 = tpu.memref_squeeze %dma_wait3A_95 : memref<1x256xi32, #tpu.memory_space<vmem>> -> memref<256xi32, #tpu.memory_space<vmem>>
        %dma_wait3A_97 = arith.constant 0 : i32
        %dma_wait3A_98 = arith.constant 0 : i32
        %dma_wait3A_99 = tpu.memref_slice %arg13[%dma_wait3A_97, %dma_wait3A_98] : memref<10240x32xf32, #tpu.memory_space<vmem_shared>> -> memref<10240x32xf32, #tpu.memory_space<vmem_shared>>
        tpu.wait_indirect_dma semaphore(%arg17 : memref<!tpu.dma_semaphore, #tpu.memory_space<semaphore_mem>>) src(%arg9 : memref<256x32xf32, #tpu.memory_space<vmem>>) dst(%dma_wait3A_99 : memref<10240x32xf32, #tpu.memory_space<vmem_shared>>)
        %dma_wait3A_100 = arith.constant 0 : i32
        %dma_wait3A_101 = arith.constant 0 : i32
        %dma_wait3A_102 = tpu.memref_slice %arg8[%dma_wait3A_100, %dma_wait3A_101] : memref<80x256xi32, #tpu.memory_space<vmem>> -> memref<1x256xi32, #tpu.memory_space<vmem>>
        %dma_wait3A_103 = tpu.memref_squeeze %dma_wait3A_102 : memref<1x256xi32, #tpu.memory_space<vmem>> -> memref<256xi32, #tpu.memory_space<vmem>>
        %dma_wait3A_104 = arith.constant 0 : i32
        %dma_wait3A_105 = arith.constant 0 : i32
        %dma_wait3A_106 = tpu.memref_slice %arg13[%dma_wait3A_104, %dma_wait3A_105] : memref<10240x32xf32, #tpu.memory_space<vmem_shared>> -> memref<10240x32xf32, #tpu.memory_space<vmem_shared>>
        tpu.wait_indirect_dma semaphore(%arg18 : memref<!tpu.dma_semaphore, #tpu.memory_space<semaphore_mem>>) src(%arg9 : memref<256x32xf32, #tpu.memory_space<vmem>>) dst(%dma_wait3A_106 : memref<10240x32xf32, #tpu.memory_space<vmem_shared>>)
      } else {
      }
      %mul3A_73 = arith.constant 2 : i32
      %mul3A_74 = arith.muli %scan3A_69, %mul3A_73 : i32
      %add3A_75 = arith.constant 0 : i32
      %add3A_76 = arith.addi %mul3A_74, %add3A_75 : i32
      %dma_start3A = arith.constant 0 : i32
      %dma_start3A_77 = tpu.memref_slice %arg8[%add3A_76, %dma_start3A] : memref<80x256xi32, #tpu.memory_space<vmem>> -> memref<1x256xi32, #tpu.memory_space<vmem>>
      %dma_start3A_78 = tpu.memref_squeeze %dma_start3A_77 : memref<1x256xi32, #tpu.memory_space<vmem>> -> memref<256xi32, #tpu.memory_space<vmem>>
      %dma_start3A_79 = arith.constant 0 : i32
      %dma_start3A_80 = arith.constant 0 : i32
      %dma_start3A_81 = tpu.memref_slice %arg13[%dma_start3A_79, %dma_start3A_80] : memref<10240x32xf32, #tpu.memory_space<vmem_shared>> -> memref<10240x32xf32, #tpu.memory_space<vmem_shared>>
      tpu.enqueue_indirect_dma source(%arg9 : memref<256x32xf32, #tpu.memory_space<vmem>>) target(%dma_start3A_81 : memref<10240x32xf32, #tpu.memory_space<vmem_shared>>) offsets(%dma_start3A_78 : memref<256xi32, #tpu.memory_space<vmem>>) semaphore(%arg17 : memref<!tpu.dma_semaphore, #tpu.memory_space<semaphore_mem>>) {add = true}
      %mul3A_82 = arith.constant 2 : i32
      %mul3A_83 = arith.muli %scan3A_69, %mul3A_82 : i32
      %add3A_84 = arith.constant 1 : i32
      %add3A_85 = arith.addi %mul3A_83, %add3A_84 : i32
      %dma_start3A_86 = arith.constant 0 : i32
      %dma_start3A_87 = tpu.memref_slice %arg8[%add3A_85, %dma_start3A_86] : memref<80x256xi32, #tpu.memory_space<vmem>> -> memref<1x256xi32, #tpu.memory_space<vmem>>
      %dma_start3A_88 = tpu.memref_squeeze %dma_start3A_87 : memref<1x256xi32, #tpu.memory_space<vmem>> -> memref<256xi32, #tpu.memory_space<vmem>>
      %dma_start3A_89 = arith.constant 0 : i32
      %dma_start3A_90 = arith.constant 0 : i32
      %dma_start3A_91 = tpu.memref_slice %arg13[%dma_start3A_89, %dma_start3A_90] : memref<10240x32xf32, #tpu.memory_space<vmem_shared>> -> memref<10240x32xf32, #tpu.memory_space<vmem_shared>>
      tpu.enqueue_indirect_dma source(%arg9 : memref<256x32xf32, #tpu.memory_space<vmem>>) target(%dma_start3A_91 : memref<10240x32xf32, #tpu.memory_space<vmem_shared>>) offsets(%dma_start3A_88 : memref<256xi32, #tpu.memory_space<vmem>>) semaphore(%arg18 : memref<!tpu.dma_semaphore, #tpu.memory_space<semaphore_mem>>) {add = true}
      %scan3A_92 = arith.constant 0 : i32
      scf.yield %scan3A_92 : i32
    }
    %scan3A_25 = arith.constant 40 : i32
    %dma_wait3A = arith.constant 0 : i32
    %dma_wait3A_26 = arith.constant 0 : i32
    %dma_wait3A_27 = tpu.memref_slice %arg8[%dma_wait3A, %dma_wait3A_26] : memref<80x256xi32, #tpu.memory_space<vmem>> -> memref<1x256xi32, #tpu.memory_space<vmem>>
    %dma_wait3A_28 = tpu.memref_squeeze %dma_wait3A_27 : memref<1x256xi32, #tpu.memory_space<vmem>> -> memref<256xi32, #tpu.memory_space<vmem>>
    %dma_wait3A_29 = arith.constant 0 : i32
    %dma_wait3A_30 = arith.constant 0 : i32
    %dma_wait3A_31 = tpu.memref_slice %arg13[%dma_wait3A_29, %dma_wait3A_30] : memref<10240x32xf32, #tpu.memory_space<vmem_shared>> -> memref<10240x32xf32, #tpu.memory_space<vmem_shared>>
    tpu.wait_indirect_dma semaphore(%arg17 : memref<!tpu.dma_semaphore, #tpu.memory_space<semaphore_mem>>) src(%arg9 : memref<256x32xf32, #tpu.memory_space<vmem>>) dst(%dma_wait3A_31 : memref<10240x32xf32, #tpu.memory_space<vmem_shared>>)
    %dma_wait3A_32 = arith.constant 0 : i32
    %dma_wait3A_33 = arith.constant 0 : i32
    %dma_wait3A_34 = tpu.memref_slice %arg8[%dma_wait3A_32, %dma_wait3A_33] : memref<80x256xi32, #tpu.memory_space<vmem>> -> memref<1x256xi32, #tpu.memory_space<vmem>>
    %dma_wait3A_35 = tpu.memref_squeeze %dma_wait3A_34 : memref<1x256xi32, #tpu.memory_space<vmem>> -> memref<256xi32, #tpu.memory_space<vmem>>
    %dma_wait3A_36 = arith.constant 0 : i32
    %dma_wait3A_37 = arith.constant 0 : i32
    %dma_wait3A_38 = tpu.memref_slice %arg13[%dma_wait3A_36, %dma_wait3A_37] : memref<10240x32xf32, #tpu.memory_space<vmem_shared>> -> memref<10240x32xf32, #tpu.memory_space<vmem_shared>>
    tpu.wait_indirect_dma semaphore(%arg18 : memref<!tpu.dma_semaphore, #tpu.memory_space<semaphore_mem>>) src(%arg9 : memref<256x32xf32, #tpu.memory_space<vmem>>) dst(%dma_wait3A_38 : memref<10240x32xf32, #tpu.memory_space<vmem_shared>>)
    %barrier3A_39 = arith.constant 0 : index
    tpu.barrier barrier_id(%barrier3A_39)
    "tpu.region"() ({
      %run_scoped3A = tpu.sem_alloc : memref<!tpu.dma_semaphore, #tpu.memory_space<semaphore_mem>>
      %dma_start3A = arith.constant 0 : i32
      %dma_start3A_69 = arith.constant 0 : i32
      %dma_start3A_70 = tpu.memref_slice %arg4[%arg1, %dma_start3A, %dma_start3A_69] : memref<16x80x256xi32, #tpu.memory_space<hbm>> -> memref<1x80x256xi32, #tpu.memory_space<hbm>>
      %dma_start3A_71 = tpu.memref_squeeze %dma_start3A_70 : memref<1x80x256xi32, #tpu.memory_space<hbm>> -> memref<80x256xi32, #tpu.memory_space<hbm>>
      %dma_start3A_72 = arith.constant 0 : i32
      %dma_start3A_73 = arith.constant 0 : i32
      %dma_start3A_74 = tpu.memref_slice %arg4[%arg1, %dma_start3A_72, %dma_start3A_73] : memref<16x80x256xi32, #tpu.memory_space<hbm>> -> memref<1x80x256xi32, #tpu.memory_space<hbm>>
      %dma_start3A_75 = tpu.memref_squeeze %dma_start3A_74 : memref<1x80x256xi32, #tpu.memory_space<hbm>> -> memref<80x256xi32, #tpu.memory_space<hbm>>
      tpu.enqueue_dma source(%dma_start3A_75 : memref<80x256xi32, #tpu.memory_space<hbm>>) target(%arg8 : memref<80x256xi32, #tpu.memory_space<vmem>>) target_semaphore(%run_scoped3A : memref<!tpu.dma_semaphore, #tpu.memory_space<semaphore_mem>>)
      %dma_wait3A_76 = arith.constant 0 : i32
      %dma_wait3A_77 = arith.constant 0 : i32
      %dma_wait3A_78 = tpu.memref_slice %arg4[%arg1, %dma_wait3A_76, %dma_wait3A_77] : memref<16x80x256xi32, #tpu.memory_space<hbm>> -> memref<1x80x256xi32, #tpu.memory_space<hbm>>
      %dma_wait3A_79 = tpu.memref_squeeze %dma_wait3A_78 : memref<1x80x256xi32, #tpu.memory_space<hbm>> -> memref<80x256xi32, #tpu.memory_space<hbm>>
      %dma_wait3A_80 = arith.constant 0 : i32
      %dma_wait3A_81 = arith.constant 0 : i32
      %dma_wait3A_82 = tpu.memref_slice %arg4[%arg1, %dma_wait3A_80, %dma_wait3A_81] : memref<16x80x256xi32, #tpu.memory_space<hbm>> -> memref<1x80x256xi32, #tpu.memory_space<hbm>>
      %dma_wait3A_83 = tpu.memref_squeeze %dma_wait3A_82 : memref<1x80x256xi32, #tpu.memory_space<hbm>> -> memref<80x256xi32, #tpu.memory_space<hbm>>
      tpu.wait_dma2 semaphore(%run_scoped3A : memref<!tpu.dma_semaphore, #tpu.memory_space<semaphore_mem>>) src(%dma_wait3A_83 : memref<80x256xi32, #tpu.memory_space<hbm>>) dst(%arg8 : memref<80x256xi32, #tpu.memory_space<vmem>>)
      tpu.yield
    }) : () -> ()
    "tpu.region"() ({
      %run_scoped3A = tpu.sem_alloc : memref<!tpu.dma_semaphore, #tpu.memory_space<semaphore_mem>>
      %dma_start3A = arith.constant 0 : i32
      %dma_start3A_69 = tpu.memref_slice %arg13[%mul3A_0, %dma_start3A] : memref<10240x32xf32, #tpu.memory_space<vmem_shared>> -> memref<640x32xf32, #tpu.memory_space<vmem_shared>>
      %dma_start3A_70 = arith.constant 0 : i32
      %dma_start3A_71 = tpu.memref_slice %arg13[%mul3A_0, %dma_start3A_70] : memref<10240x32xf32, #tpu.memory_space<vmem_shared>> -> memref<640x32xf32, #tpu.memory_space<vmem_shared>>
      tpu.enqueue_dma source(%dma_start3A_71 : memref<640x32xf32, #tpu.memory_space<vmem_shared>>) target(%arg11 : memref<640x32xf32, #tpu.memory_space<vmem>>) target_semaphore(%run_scoped3A : memref<!tpu.dma_semaphore, #tpu.memory_space<semaphore_mem>>)
      %dma_wait3A_72 = arith.constant 0 : i32
      %dma_wait3A_73 = tpu.memref_slice %arg13[%mul3A_0, %dma_wait3A_72] : memref<10240x32xf32, #tpu.memory_space<vmem_shared>> -> memref<640x32xf32, #tpu.memory_space<vmem_shared>>
      %dma_wait3A_74 = arith.constant 0 : i32
      %dma_wait3A_75 = tpu.memref_slice %arg13[%mul3A_0, %dma_wait3A_74] : memref<10240x32xf32, #tpu.memory_space<vmem_shared>> -> memref<640x32xf32, #tpu.memory_space<vmem_shared>>
      tpu.wait_dma2 semaphore(%run_scoped3A : memref<!tpu.dma_semaphore, #tpu.memory_space<semaphore_mem>>) src(%dma_wait3A_75 : memref<640x32xf32, #tpu.memory_space<vmem_shared>>) dst(%arg11 : memref<640x32xf32, #tpu.memory_space<vmem>>)
      tpu.yield
    }) : () -> ()
    %scan3A_40 = arith.constant 0 : i32
    %scan3A_41 = arith.constant 0 : i32
    %scan3A_42 = arith.constant 640 : i32
    %scan3A_43 = arith.addi %scan3A_41, %scan3A_42 : i32
    %scan3A_44 = arith.constant 1 : i32
    %scan3A_45 = scf.for %scan3A_69 = %scan3A_41 to %scan3A_43 step %scan3A_44 iter_args(%scan3A_70 = %scan3A_40) -> (i32)  : i32 {
      %get3A = arith.constant 0 : i32
      %get3A_71 = tpu.memref_slice %arg11[%scan3A_69, %get3A] : memref<640x32xf32, #tpu.memory_space<vmem>> -> memref<1x32xf32, #tpu.memory_space<vmem>>
      %get3A_72 = tpu.memref_squeeze %get3A_71 : memref<1x32xf32, #tpu.memory_space<vmem>> -> memref<32xf32, #tpu.memory_space<vmem>>
      %get3A_73 = arith.constant 0 : index
      %get3A_74 = tpu.vector_load %get3A_72[%get3A_73] {strides = array<i32>} : memref<32xf32, #tpu.memory_space<vmem>>, vector<16xf32>,
      %get3A_75 = vector.shape_cast %get3A_74 : vector<16xf32> to vector<16xf32>
      %gt3A = arith.constant 0.000000e+00 : f32
      %gt3A_76 = vector.broadcast %gt3A : f32 to vector<16xf32>
      %gt3A_77 = arith.cmpf ogt, %get3A_75, %gt3A_76 : vector<16xf32>
      %jit3A = arith.constant 1.000000e+00 : f32
      %broadcast_in_dim3A_78 = vector.broadcast %jit3A : f32 to vector<16xf32>
      %select_n3A = arith.select %gt3A_77, %get3A_75, %broadcast_in_dim3A_78 : vector<16xi1>, vector<16xf32>
      %add3A_79 = arith.constant 1.000000e+00 : f32
      %add3A_80 = vector.broadcast %add3A_79 : f32 to vector<16xf32>
      %add3A_81 = arith.addf %select_n3A, %add3A_80 : vector<16xf32>
      %mul3A_82 = arith.constant 5.000000e-01 : f32
      %mul3A_83 = vector.broadcast %mul3A_82 : f32 to vector<16xf32>
      %mul3A_84 = arith.mulf %mul3A_83, %add3A_81 : vector<16xf32>
      %div3A = arith.divf %select_n3A, %mul3A_84 : vector<16xf32>
      %add3A_85 = arith.addf %mul3A_84, %div3A : vector<16xf32>
      %mul3A_86 = arith.constant 5.000000e-01 : f32
      %mul3A_87 = vector.broadcast %mul3A_86 : f32 to vector<16xf32>
      %mul3A_88 = arith.mulf %mul3A_87, %add3A_85 : vector<16xf32>
      %div3A_89 = arith.divf %select_n3A, %mul3A_88 : vector<16xf32>
      %add3A_90 = arith.addf %mul3A_88, %div3A_89 : vector<16xf32>
      %mul3A_91 = arith.constant 5.000000e-01 : f32
      %mul3A_92 = vector.broadcast %mul3A_91 : f32 to vector<16xf32>
      %mul3A_93 = arith.mulf %mul3A_92, %add3A_90 : vector<16xf32>
      %div3A_94 = arith.divf %select_n3A, %mul3A_93 : vector<16xf32>
      %add3A_95 = arith.addf %mul3A_93, %div3A_94 : vector<16xf32>
      %mul3A_96 = arith.constant 5.000000e-01 : f32
      %mul3A_97 = vector.broadcast %mul3A_96 : f32 to vector<16xf32>
      %mul3A_98 = arith.mulf %mul3A_97, %add3A_95 : vector<16xf32>
      %div3A_99 = arith.divf %select_n3A, %mul3A_98 : vector<16xf32>
      %add3A_100 = arith.addf %mul3A_98, %div3A_99 : vector<16xf32>
      %mul3A_101 = arith.constant 5.000000e-01 : f32
      %mul3A_102 = vector.broadcast %mul3A_101 : f32 to vector<16xf32>
      %mul3A_103 = arith.mulf %mul3A_102, %add3A_100 : vector<16xf32>
      %div3A_104 = arith.divf %select_n3A, %mul3A_103 : vector<16xf32>
      %add3A_105 = arith.addf %mul3A_103, %div3A_104 : vector<16xf32>
      %mul3A_106 = arith.constant 5.000000e-01 : f32
      %mul3A_107 = vector.broadcast %mul3A_106 : f32 to vector<16xf32>
      %mul3A_108 = arith.mulf %mul3A_107, %add3A_105 : vector<16xf32>
      %div3A_109 = arith.divf %select_n3A, %mul3A_108 : vector<16xf32>
      %add3A_110 = arith.addf %mul3A_108, %div3A_109 : vector<16xf32>
      %mul3A_111 = arith.constant 5.000000e-01 : f32
      %mul3A_112 = vector.broadcast %mul3A_111 : f32 to vector<16xf32>
      %mul3A_113 = arith.mulf %mul3A_112, %add3A_110 : vector<16xf32>
      %div3A_114 = arith.divf %select_n3A, %mul3A_113 : vector<16xf32>
      %add3A_115 = arith.addf %mul3A_113, %div3A_114 : vector<16xf32>
      %mul3A_116 = arith.constant 5.000000e-01 : f32
      %mul3A_117 = vector.broadcast %mul3A_116 : f32 to vector<16xf32>
      %mul3A_118 = arith.mulf %mul3A_117, %add3A_115 : vector<16xf32>
      %div3A_119 = arith.divf %select_n3A, %mul3A_118 : vector<16xf32>
      %add3A_120 = arith.addf %mul3A_118, %div3A_119 : vector<16xf32>
      %mul3A_121 = arith.constant 5.000000e-01 : f32
      %mul3A_122 = vector.broadcast %mul3A_121 : f32 to vector<16xf32>
      %mul3A_123 = arith.mulf %mul3A_122, %add3A_120 : vector<16xf32>
      %div3A_124 = arith.divf %select_n3A, %mul3A_123 : vector<16xf32>
      %add3A_125 = arith.addf %mul3A_123, %div3A_124 : vector<16xf32>
      %mul3A_126 = arith.constant 5.000000e-01 : f32
      %mul3A_127 = vector.broadcast %mul3A_126 : f32 to vector<16xf32>
      %mul3A_128 = arith.mulf %mul3A_127, %add3A_125 : vector<16xf32>
      %div3A_129 = arith.divf %select_n3A, %mul3A_128 : vector<16xf32>
      %add3A_130 = arith.addf %mul3A_128, %div3A_129 : vector<16xf32>
      %mul3A_131 = arith.constant 5.000000e-01 : f32
      %mul3A_132 = vector.broadcast %mul3A_131 : f32 to vector<16xf32>
      %mul3A_133 = arith.mulf %mul3A_132, %add3A_130 : vector<16xf32>
      %div3A_134 = arith.divf %select_n3A, %mul3A_133 : vector<16xf32>
      %add3A_135 = arith.addf %mul3A_133, %div3A_134 : vector<16xf32>
      %mul3A_136 = arith.constant 5.000000e-01 : f32
      %mul3A_137 = vector.broadcast %mul3A_136 : f32 to vector<16xf32>
      %mul3A_138 = arith.mulf %mul3A_137, %add3A_135 : vector<16xf32>
      %div3A_139 = arith.divf %select_n3A, %mul3A_138 : vector<16xf32>
      %add3A_140 = arith.addf %mul3A_138, %div3A_139 : vector<16xf32>
      %mul3A_141 = arith.constant 5.000000e-01 : f32
      %mul3A_142 = vector.broadcast %mul3A_141 : f32 to vector<16xf32>
      %mul3A_143 = arith.mulf %mul3A_142, %add3A_140 : vector<16xf32>
      %gt3A_144 = arith.constant 0.000000e+00 : f32
      %gt3A_145 = vector.broadcast %gt3A_144 : f32 to vector<16xf32>
      %gt3A_146 = arith.cmpf ogt, %get3A_75, %gt3A_145 : vector<16xf32>
      %div3A_147 = arith.constant 1.000000e+00 : f32
      %div3A_148 = vector.broadcast %div3A_147 : f32 to vector<16xf32>
      %div3A_149 = arith.divf %div3A_148, %mul3A_143 : vector<16xf32>
      %jit3A_150 = arith.constant 0.000000e+00 : f32
      %broadcast_in_dim3A_151 = vector.broadcast %jit3A_150 : f32 to vector<16xf32>
      %select_n3A_152 = arith.select %gt3A_146, %div3A_149, %broadcast_in_dim3A_151 : vector<16xi1>, vector<16xf32>
      %swap3A = arith.constant 0 : i32
      %swap3A_153 = tpu.memref_slice %arg12[%scan3A_69, %swap3A] : memref<640x16xf32, #tpu.memory_space<vmem>> -> memref<1x16xf32, #tpu.memory_space<vmem>>
      %swap3A_154 = tpu.memref_squeeze %swap3A_153 : memref<1x16xf32, #tpu.memory_space<vmem>> -> memref<16xf32, #tpu.memory_space<vmem>>
      %swap3A_155 = arith.constant 0 : index
      %swap3A_156 = tpu.vector_load %swap3A_154[%swap3A_155] {strides = array<i32>} : memref<16xf32, #tpu.memory_space<vmem>>, vector<16xf32>,
      %swap3A_157 = vector.shape_cast %swap3A_156 : vector<16xf32> to vector<16xf32>
      %swap3A_158 = vector.shape_cast %select_n3A_152 : vector<16xf32> to vector<16xf32>
      tpu.vector_store %swap3A_154[%swap3A_155], %swap3A_158 {strides = array<i32>} : memref<16xf32, #tpu.memory_space<vmem>>, vector<16xf32>,
      %scan3A_159 = arith.constant 0 : i32
      scf.yield %scan3A_159 : i32
    }
    %scan3A_46 = arith.constant 640 : i32
    %scan3A_47 = arith.constant 0 : i32
    %scan3A_48 = arith.constant 0 : i32
    %scan3A_49 = arith.constant 640 : i32
    %scan3A_50 = arith.addi %scan3A_48, %scan3A_49 : i32
    %scan3A_51 = arith.constant 1 : i32
    %scan3A_52 = scf.for %scan3A_69 = %scan3A_48 to %scan3A_50 step %scan3A_51 iter_args(%scan3A_70 = %scan3A_47) -> (i32)  : i32 {
      %swap3A = arith.constant 0 : i32
      %swap3A_71 = tpu.memref_slice %arg11[%scan3A_69, %swap3A] : memref<640x32xf32, #tpu.memory_space<vmem>> -> memref<1x32xf32, #tpu.memory_space<vmem>>
      %swap3A_72 = tpu.memref_squeeze %swap3A_71 : memref<1x32xf32, #tpu.memory_space<vmem>> -> memref<32xf32, #tpu.memory_space<vmem>>
      %swap3A_73 = arith.constant 0 : index
      %swap3A_74 = tpu.vector_load %swap3A_72[%swap3A_73] {strides = array<i32>} : memref<32xf32, #tpu.memory_space<vmem>>, vector<16xf32>,
      %swap3A_75 = vector.shape_cast %swap3A_74 : vector<16xf32> to vector<16xf32>
      %swap3A_76 = vector.shape_cast %broadcast_in_dim3A_5 : vector<16xf32> to vector<16xf32>
      tpu.vector_store %swap3A_72[%swap3A_73], %swap3A_76 {strides = array<i32>} : memref<32xf32, #tpu.memory_space<vmem>>, vector<16xf32>,
      %swap3A_77 = arith.constant 0 : i32
      %swap3A_78 = tpu.memref_slice %arg11[%scan3A_69, %swap3A_77] : memref<640x32xf32, #tpu.memory_space<vmem>> -> memref<1x32xf32, #tpu.memory_space<vmem>>
      %swap3A_79 = tpu.memref_squeeze %swap3A_78 : memref<1x32xf32, #tpu.memory_space<vmem>> -> memref<32xf32, #tpu.memory_space<vmem>>
      %swap3A_80 = arith.constant 16 : index
      %swap3A_81 = tpu.vector_load %swap3A_79[%swap3A_80] {strides = array<i32>} : memref<32xf32, #tpu.memory_space<vmem>>, vector<16xf32>,
      %swap3A_82 = vector.shape_cast %swap3A_81 : vector<16xf32> to vector<16xf32>
      %swap3A_83 = vector.shape_cast %broadcast_in_dim3A_5 : vector<16xf32> to vector<16xf32>
      tpu.vector_store %swap3A_79[%swap3A_80], %swap3A_83 {strides = array<i32>} : memref<32xf32, #tpu.memory_space<vmem>>, vector<16xf32>,
      %scan3A_84 = arith.constant 0 : i32
      scf.yield %scan3A_84 : i32
    }
    %scan3A_53 = arith.constant 640 : i32
    "tpu.region"() ({
      %run_scoped3A = tpu.sem_alloc : memref<!tpu.dma_semaphore, #tpu.memory_space<semaphore_mem>>
      %dma_start3A = arith.constant 0 : i32
      %dma_start3A_69 = tpu.memref_slice %arg13[%mul3A_0, %dma_start3A] : memref<10240x32xf32, #tpu.memory_space<vmem_shared>> -> memref<640x32xf32, #tpu.memory_space<vmem_shared>>
      %dma_start3A_70 = arith.constant 0 : i32
      %dma_start3A_71 = tpu.memref_slice %arg13[%mul3A_0, %dma_start3A_70] : memref<10240x32xf32, #tpu.memory_space<vmem_shared>> -> memref<640x32xf32, #tpu.memory_space<vmem_shared>>
      tpu.enqueue_dma source(%arg11 : memref<640x32xf32, #tpu.memory_space<vmem>>) target(%dma_start3A_71 : memref<640x32xf32, #tpu.memory_space<vmem_shared>>) target_semaphore(%run_scoped3A : memref<!tpu.dma_semaphore, #tpu.memory_space<semaphore_mem>>)
      %dma_wait3A_72 = arith.constant 0 : i32
      %dma_wait3A_73 = tpu.memref_slice %arg13[%mul3A_0, %dma_wait3A_72] : memref<10240x32xf32, #tpu.memory_space<vmem_shared>> -> memref<640x32xf32, #tpu.memory_space<vmem_shared>>
      %dma_wait3A_74 = arith.constant 0 : i32
      %dma_wait3A_75 = tpu.memref_slice %arg13[%mul3A_0, %dma_wait3A_74] : memref<10240x32xf32, #tpu.memory_space<vmem_shared>> -> memref<640x32xf32, #tpu.memory_space<vmem_shared>>
      tpu.wait_dma2 semaphore(%run_scoped3A : memref<!tpu.dma_semaphore, #tpu.memory_space<semaphore_mem>>) src(%arg11 : memref<640x32xf32, #tpu.memory_space<vmem>>) dst(%dma_wait3A_75 : memref<640x32xf32, #tpu.memory_space<vmem_shared>>)
      tpu.yield
    }) : () -> ()
    "tpu.region"() ({
      %run_scoped3A = tpu.sem_alloc : memref<!tpu.dma_semaphore, #tpu.memory_space<semaphore_mem>>
      %dma_start3A = arith.constant 0 : i32
      %dma_start3A_69 = tpu.memref_slice %arg2[%arg0, %mul3A_0, %dma_start3A] : memref<2x10240x32xf32, #tpu.memory_space<hbm>> -> memref<1x640x32xf32, #tpu.memory_space<hbm>>
      %dma_start3A_70 = tpu.memref_squeeze %dma_start3A_69 : memref<1x640x32xf32, #tpu.memory_space<hbm>> -> memref<640x32xf32, #tpu.memory_space<hbm>>
      %dma_start3A_71 = arith.constant 0 : i32
      %dma_start3A_72 = tpu.memref_slice %arg2[%arg0, %mul3A_0, %dma_start3A_71] : memref<2x10240x32xf32, #tpu.memory_space<hbm>> -> memref<1x640x32xf32, #tpu.memory_space<hbm>>
      %dma_start3A_73 = tpu.memref_squeeze %dma_start3A_72 : memref<1x640x32xf32, #tpu.memory_space<hbm>> -> memref<640x32xf32, #tpu.memory_space<hbm>>
      tpu.enqueue_dma source(%dma_start3A_73 : memref<640x32xf32, #tpu.memory_space<hbm>>) target(%arg11 : memref<640x32xf32, #tpu.memory_space<vmem>>) target_semaphore(%run_scoped3A : memref<!tpu.dma_semaphore, #tpu.memory_space<semaphore_mem>>)
      %dma_wait3A_74 = arith.constant 0 : i32
      %dma_wait3A_75 = tpu.memref_slice %arg2[%arg0, %mul3A_0, %dma_wait3A_74] : memref<2x10240x32xf32, #tpu.memory_space<hbm>> -> memref<1x640x32xf32, #tpu.memory_space<hbm>>
      %dma_wait3A_76 = tpu.memref_squeeze %dma_wait3A_75 : memref<1x640x32xf32, #tpu.memory_space<hbm>> -> memref<640x32xf32, #tpu.memory_space<hbm>>
      %dma_wait3A_77 = arith.constant 0 : i32
      %dma_wait3A_78 = tpu.memref_slice %arg2[%arg0, %mul3A_0, %dma_wait3A_77] : memref<2x10240x32xf32, #tpu.memory_space<hbm>> -> memref<1x640x32xf32, #tpu.memory_space<hbm>>
      %dma_wait3A_79 = tpu.memref_squeeze %dma_wait3A_78 : memref<1x640x32xf32, #tpu.memory_space<hbm>> -> memref<640x32xf32, #tpu.memory_space<hbm>>
      tpu.wait_dma2 semaphore(%run_scoped3A : memref<!tpu.dma_semaphore, #tpu.memory_space<semaphore_mem>>) src(%dma_wait3A_79 : memref<640x32xf32, #tpu.memory_space<hbm>>) dst(%arg11 : memref<640x32xf32, #tpu.memory_space<vmem>>)
      tpu.yield
    }) : () -> ()
    %scan3A_54 = arith.constant 0 : i32
    %scan3A_55 = arith.constant 0 : i32
    %scan3A_56 = arith.constant 640 : i32
    %scan3A_57 = arith.addi %scan3A_55, %scan3A_56 : i32
    %scan3A_58 = arith.constant 1 : i32
    %scan3A_59 = scf.for %scan3A_69 = %scan3A_55 to %scan3A_57 step %scan3A_58 iter_args(%scan3A_70 = %scan3A_54) -> (i32)  : i32 {
      %get3A = arith.constant 0 : i32
      %get3A_71 = tpu.memref_slice %arg12[%scan3A_69, %get3A] : memref<640x16xf32, #tpu.memory_space<vmem>> -> memref<1x16xf32, #tpu.memory_space<vmem>>
      %get3A_72 = tpu.memref_squeeze %get3A_71 : memref<1x16xf32, #tpu.memory_space<vmem>> -> memref<16xf32, #tpu.memory_space<vmem>>
      %get3A_73 = arith.constant 0 : index
      %get3A_74 = tpu.vector_load %get3A_72[%get3A_73] {strides = array<i32>} : memref<16xf32, #tpu.memory_space<vmem>>, vector<16xf32>,
      %get3A_75 = vector.shape_cast %get3A_74 : vector<16xf32> to vector<16xf32>
      %get3A_76 = arith.constant 0 : i32
      %get3A_77 = tpu.memref_slice %arg11[%scan3A_69, %get3A_76] : memref<640x32xf32, #tpu.memory_space<vmem>> -> memref<1x32xf32, #tpu.memory_space<vmem>>
      %get3A_78 = tpu.memref_squeeze %get3A_77 : memref<1x32xf32, #tpu.memory_space<vmem>> -> memref<32xf32, #tpu.memory_space<vmem>>
      %get3A_79 = arith.constant 0 : index
      %get3A_80 = tpu.vector_load %get3A_78[%get3A_79] {strides = array<i32>} : memref<32xf32, #tpu.memory_space<vmem>>, vector<16xf32>,
      %get3A_81 = vector.shape_cast %get3A_80 : vector<16xf32> to vector<16xf32>
      %mul3A_82 = arith.mulf %get3A_81, %get3A_75 : vector<16xf32>
      %swap3A = arith.constant 0 : i32
      %swap3A_83 = tpu.memref_slice %arg11[%scan3A_69, %swap3A] : memref<640x32xf32, #tpu.memory_space<vmem>> -> memref<1x32xf32, #tpu.memory_space<vmem>>
      %swap3A_84 = tpu.memref_squeeze %swap3A_83 : memref<1x32xf32, #tpu.memory_space<vmem>> -> memref<32xf32, #tpu.memory_space<vmem>>
      %swap3A_85 = arith.constant 0 : index
      %swap3A_86 = tpu.vector_load %swap3A_84[%swap3A_85] {strides = array<i32>} : memref<32xf32, #tpu.memory_space<vmem>>, vector<16xf32>,
      %swap3A_87 = vector.shape_cast %swap3A_86 : vector<16xf32> to vector<16xf32>
      %swap3A_88 = vector.shape_cast %mul3A_82 : vector<16xf32> to vector<16xf32>
      tpu.vector_store %swap3A_84[%swap3A_85], %swap3A_88 {strides = array<i32>} : memref<32xf32, #tpu.memory_space<vmem>>, vector<16xf32>,
      %get3A_89 = arith.constant 0 : i32
      %get3A_90 = tpu.memref_slice %arg11[%scan3A_69, %get3A_89] : memref<640x32xf32, #tpu.memory_space<vmem>> -> memref<1x32xf32, #tpu.memory_space<vmem>>
      %get3A_91 = tpu.memref_squeeze %get3A_90 : memref<1x32xf32, #tpu.memory_space<vmem>> -> memref<32xf32, #tpu.memory_space<vmem>>
      %get3A_92 = arith.constant 16 : index
      %get3A_93 = tpu.vector_load %get3A_91[%get3A_92] {strides = array<i32>} : memref<32xf32, #tpu.memory_space<vmem>>, vector<16xf32>,
      %get3A_94 = vector.shape_cast %get3A_93 : vector<16xf32> to vector<16xf32>
      %mul3A_95 = arith.mulf %get3A_94, %get3A_75 : vector<16xf32>
      %swap3A_96 = arith.constant 0 : i32
      %swap3A_97 = tpu.memref_slice %arg11[%scan3A_69, %swap3A_96] : memref<640x32xf32, #tpu.memory_space<vmem>> -> memref<1x32xf32, #tpu.memory_space<vmem>>
      %swap3A_98 = tpu.memref_squeeze %swap3A_97 : memref<1x32xf32, #tpu.memory_space<vmem>> -> memref<32xf32, #tpu.memory_space<vmem>>
      %swap3A_99 = arith.constant 16 : index
      %swap3A_100 = tpu.vector_load %swap3A_98[%swap3A_99] {strides = array<i32>} : memref<32xf32, #tpu.memory_space<vmem>>, vector<16xf32>,
      %swap3A_101 = vector.shape_cast %swap3A_100 : vector<16xf32> to vector<16xf32>
      %swap3A_102 = vector.shape_cast %mul3A_95 : vector<16xf32> to vector<16xf32>
      tpu.vector_store %swap3A_98[%swap3A_99], %swap3A_102 {strides = array<i32>} : memref<32xf32, #tpu.memory_space<vmem>>, vector<16xf32>,
      %scan3A_103 = arith.constant 0 : i32
      scf.yield %scan3A_103 : i32
    }
    %scan3A_60 = arith.constant 640 : i32
    "tpu.region"() ({
      %run_scoped3A = tpu.sem_alloc : memref<!tpu.dma_semaphore, #tpu.memory_space<semaphore_mem>>
      %dma_start3A = arith.constant 0 : i32
      %dma_start3A_69 = tpu.memref_slice %arg14[%mul3A_0, %dma_start3A] : memref<10240x32xf32, #tpu.memory_space<vmem_shared>> -> memref<640x32xf32, #tpu.memory_space<vmem_shared>>
      %dma_start3A_70 = arith.constant 0 : i32
      %dma_start3A_71 = tpu.memref_slice %arg14[%mul3A_0, %dma_start3A_70] : memref<10240x32xf32, #tpu.memory_space<vmem_shared>> -> memref<640x32xf32, #tpu.memory_space<vmem_shared>>
      tpu.enqueue_dma source(%arg11 : memref<640x32xf32, #tpu.memory_space<vmem>>) target(%dma_start3A_71 : memref<640x32xf32, #tpu.memory_space<vmem_shared>>) target_semaphore(%run_scoped3A : memref<!tpu.dma_semaphore, #tpu.memory_space<semaphore_mem>>)
      %dma_wait3A_72 = arith.constant 0 : i32
      %dma_wait3A_73 = tpu.memref_slice %arg14[%mul3A_0, %dma_wait3A_72] : memref<10240x32xf32, #tpu.memory_space<vmem_shared>> -> memref<640x32xf32, #tpu.memory_space<vmem_shared>>
      %dma_wait3A_74 = arith.constant 0 : i32
      %dma_wait3A_75 = tpu.memref_slice %arg14[%mul3A_0, %dma_wait3A_74] : memref<10240x32xf32, #tpu.memory_space<vmem_shared>> -> memref<640x32xf32, #tpu.memory_space<vmem_shared>>
      tpu.wait_dma2 semaphore(%run_scoped3A : memref<!tpu.dma_semaphore, #tpu.memory_space<semaphore_mem>>) src(%arg11 : memref<640x32xf32, #tpu.memory_space<vmem>>) dst(%dma_wait3A_75 : memref<640x32xf32, #tpu.memory_space<vmem_shared>>)
      tpu.yield
    }) : () -> ()
    %barrier3A_61 = arith.constant 0 : index
    tpu.barrier barrier_id(%barrier3A_61)
    %scan3A_62 = arith.constant 0 : i32
    %scan3A_63 = arith.constant 1 : i32
    %scan3A_64 = arith.constant 10 : i32
    %scan3A_65 = arith.addi %scan3A_63, %scan3A_64 : i32
    %scan3A_66 = arith.constant 1 : i32
    %scan3A_67 = scf.for %scan3A_69 = %scan3A_63 to %scan3A_65 step %scan3A_66 iter_args(%scan3A_70 = %scan3A_62) -> (i32)  : i32 {
      %scan3A_71 = arith.constant 0 : i32
      %scan3A_72 = arith.constant 0 : i32
      %scan3A_73 = arith.constant 40 : i32
      %scan3A_74 = arith.addi %scan3A_72, %scan3A_73 : i32
      %scan3A_75 = arith.constant 1 : i32
      %scan3A_76 = scf.for %scan3A_119 = %scan3A_72 to %scan3A_74 step %scan3A_75 iter_args(%scan3A_120 = %scan3A_71) -> (i32)  : i32 {
        %gt3A = arith.constant 0 : i32
        %gt3A_121 = arith.cmpi sgt, %scan3A_119, %gt3A : i32
        %convert_element_type3A_122 = arith.extui %gt3A_121 : i1 to i32
        %cond3A_123 = arith.constant 0 : i32
        %cond3A_124 = arith.cmpi ne, %convert_element_type3A_122, %cond3A_123 : i32
        scf.if %cond3A_124 {
          %dma_wait3A_185 = arith.constant 0 : i32
          %dma_wait3A_186 = arith.constant 0 : i32
          %dma_wait3A_187 = tpu.memref_slice %arg8[%dma_wait3A_185, %dma_wait3A_186] : memref<80x256xi32, #tpu.memory_space<vmem>> -> memref<1x256xi32, #tpu.memory_space<vmem>>
          %dma_wait3A_188 = tpu.memref_squeeze %dma_wait3A_187 : memref<1x256xi32, #tpu.memory_space<vmem>> -> memref<256xi32, #tpu.memory_space<vmem>>
          %dma_wait3A_189 = arith.constant 0 : i32
          %dma_wait3A_190 = arith.constant 0 : i32
          %dma_wait3A_191 = tpu.memref_slice %arg13[%dma_wait3A_189, %dma_wait3A_190] : memref<10240x32xf32, #tpu.memory_space<vmem_shared>> -> memref<10240x32xf32, #tpu.memory_space<vmem_shared>>
          tpu.wait_indirect_dma semaphore(%arg17 : memref<!tpu.dma_semaphore, #tpu.memory_space<semaphore_mem>>) src(%arg9 : memref<256x32xf32, #tpu.memory_space<vmem>>) dst(%dma_wait3A_191 : memref<10240x32xf32, #tpu.memory_space<vmem_shared>>)
          %dma_wait3A_192 = arith.constant 0 : i32
          %dma_wait3A_193 = arith.constant 0 : i32
          %dma_wait3A_194 = tpu.memref_slice %arg8[%dma_wait3A_192, %dma_wait3A_193] : memref<80x256xi32, #tpu.memory_space<vmem>> -> memref<1x256xi32, #tpu.memory_space<vmem>>
          %dma_wait3A_195 = tpu.memref_squeeze %dma_wait3A_194 : memref<1x256xi32, #tpu.memory_space<vmem>> -> memref<256xi32, #tpu.memory_space<vmem>>
          %dma_wait3A_196 = arith.constant 0 : i32
          %dma_wait3A_197 = arith.constant 0 : i32
          %dma_wait3A_198 = tpu.memref_slice %arg13[%dma_wait3A_196, %dma_wait3A_197] : memref<10240x32xf32, #tpu.memory_space<vmem_shared>> -> memref<10240x32xf32, #tpu.memory_space<vmem_shared>>
          tpu.wait_indirect_dma semaphore(%arg18 : memref<!tpu.dma_semaphore, #tpu.memory_space<semaphore_mem>>) src(%arg10 : memref<256x32xf32, #tpu.memory_space<vmem>>) dst(%dma_wait3A_198 : memref<10240x32xf32, #tpu.memory_space<vmem_shared>>)
        } else {
        }
        %mul3A_125 = arith.constant 2 : i32
        %mul3A_126 = arith.muli %scan3A_119, %mul3A_125 : i32
        %add3A_127 = arith.constant 0 : i32
        %add3A_128 = arith.addi %mul3A_126, %add3A_127 : i32
        %dma_start3A = arith.constant 0 : i32
        %dma_start3A_129 = tpu.memref_slice %arg7[%add3A_128, %dma_start3A] : memref<80x256xi32, #tpu.memory_space<vmem>> -> memref<1x256xi32, #tpu.memory_space<vmem>>
        %dma_start3A_130 = tpu.memref_squeeze %dma_start3A_129 : memref<1x256xi32, #tpu.memory_space<vmem>> -> memref<256xi32, #tpu.memory_space<vmem>>
        %dma_start3A_131 = arith.constant 0 : i32
        %dma_start3A_132 = arith.constant 0 : i32
        %dma_start3A_133 = tpu.memref_slice %arg14[%dma_start3A_131, %dma_start3A_132] : memref<10240x32xf32, #tpu.memory_space<vmem_shared>> -> memref<10240x32xf32, #tpu.memory_space<vmem_shared>>
        tpu.enqueue_indirect_dma source(%dma_start3A_133 : memref<10240x32xf32, #tpu.memory_space<vmem_shared>>) target(%arg9 : memref<256x32xf32, #tpu.memory_space<vmem>>) offsets(%dma_start3A_130 : memref<256xi32, #tpu.memory_space<vmem>>) semaphore(%arg15 : memref<!tpu.dma_semaphore, #tpu.memory_space<semaphore_mem>>)
        %mul3A_134 = arith.constant 2 : i32
        %mul3A_135 = arith.muli %scan3A_119, %mul3A_134 : i32
        %add3A_136 = arith.constant 1 : i32
        %add3A_137 = arith.addi %mul3A_135, %add3A_136 : i32
        %dma_start3A_138 = arith.constant 0 : i32
        %dma_start3A_139 = tpu.memref_slice %arg7[%add3A_137, %dma_start3A_138] : memref<80x256xi32, #tpu.memory_space<vmem>> -> memref<1x256xi32, #tpu.memory_space<vmem>>
        %dma_start3A_140 = tpu.memref_squeeze %dma_start3A_139 : memref<1x256xi32, #tpu.memory_space<vmem>> -> memref<256xi32, #tpu.memory_space<vmem>>
        %dma_start3A_141 = arith.constant 0 : i32
        %dma_start3A_142 = arith.constant 0 : i32
        %dma_start3A_143 = tpu.memref_slice %arg14[%dma_start3A_141, %dma_start3A_142] : memref<10240x32xf32, #tpu.memory_space<vmem_shared>> -> memref<10240x32xf32, #tpu.memory_space<vmem_shared>>
        tpu.enqueue_indirect_dma source(%dma_start3A_143 : memref<10240x32xf32, #tpu.memory_space<vmem_shared>>) target(%arg10 : memref<256x32xf32, #tpu.memory_space<vmem>>) offsets(%dma_start3A_140 : memref<256xi32, #tpu.memory_space<vmem>>) semaphore(%arg16 : memref<!tpu.dma_semaphore, #tpu.memory_space<semaphore_mem>>)
        %mul3A_144 = arith.constant 2 : i32
        %mul3A_145 = arith.muli %scan3A_119, %mul3A_144 : i32
        %add3A_146 = arith.constant 0 : i32
        %add3A_147 = arith.addi %mul3A_145, %add3A_146 : i32
        %dma_wait3A_148 = arith.constant 0 : i32
        %dma_wait3A_149 = tpu.memref_slice %arg7[%add3A_147, %dma_wait3A_148] : memref<80x256xi32, #tpu.memory_space<vmem>> -> memref<1x256xi32, #tpu.memory_space<vmem>>
        %dma_wait3A_150 = tpu.memref_squeeze %dma_wait3A_149 : memref<1x256xi32, #tpu.memory_space<vmem>> -> memref<256xi32, #tpu.memory_space<vmem>>
        %dma_wait3A_151 = arith.constant 0 : i32
        %dma_wait3A_152 = arith.constant 0 : i32
        %dma_wait3A_153 = tpu.memref_slice %arg14[%dma_wait3A_151, %dma_wait3A_152] : memref<10240x32xf32, #tpu.memory_space<vmem_shared>> -> memref<10240x32xf32, #tpu.memory_space<vmem_shared>>
        tpu.wait_indirect_dma semaphore(%arg15 : memref<!tpu.dma_semaphore, #tpu.memory_space<semaphore_mem>>) src(%dma_wait3A_153 : memref<10240x32xf32, #tpu.memory_space<vmem_shared>>) dst(%arg9 : memref<256x32xf32, #tpu.memory_space<vmem>>)
        %mul3A_154 = arith.constant 2 : i32
        %mul3A_155 = arith.muli %scan3A_119, %mul3A_154 : i32
        %add3A_156 = arith.constant 0 : i32
        %add3A_157 = arith.addi %mul3A_155, %add3A_156 : i32
        %dma_start3A_158 = arith.constant 0 : i32
        %dma_start3A_159 = tpu.memref_slice %arg8[%add3A_157, %dma_start3A_158] : memref<80x256xi32, #tpu.memory_space<vmem>> -> memref<1x256xi32, #tpu.memory_space<vmem>>
        %dma_start3A_160 = tpu.memref_squeeze %dma_start3A_159 : memref<1x256xi32, #tpu.memory_space<vmem>> -> memref<256xi32, #tpu.memory_space<vmem>>
        %dma_start3A_161 = arith.constant 0 : i32
        %dma_start3A_162 = arith.constant 0 : i32
        %dma_start3A_163 = tpu.memref_slice %arg13[%dma_start3A_161, %dma_start3A_162] : memref<10240x32xf32, #tpu.memory_space<vmem_shared>> -> memref<10240x32xf32, #tpu.memory_space<vmem_shared>>
        tpu.enqueue_indirect_dma source(%arg9 : memref<256x32xf32, #tpu.memory_space<vmem>>) target(%dma_start3A_163 : memref<10240x32xf32, #tpu.memory_space<vmem_shared>>) offsets(%dma_start3A_160 : memref<256xi32, #tpu.memory_space<vmem>>) semaphore(%arg17 : memref<!tpu.dma_semaphore, #tpu.memory_space<semaphore_mem>>) {add = true}
        %mul3A_164 = arith.constant 2 : i32
        %mul3A_165 = arith.muli %scan3A_119, %mul3A_164 : i32
        %add3A_166 = arith.constant 1 : i32
        %add3A_167 = arith.addi %mul3A_165, %add3A_166 : i32
        %dma_wait3A_168 = arith.constant 0 : i32
        %dma_wait3A_169 = tpu.memref_slice %arg7[%add3A_167, %dma_wait3A_168] : memref<80x256xi32, #tpu.memory_space<vmem>> -> memref<1x256xi32, #tpu.memory_space<vmem>>
        %dma_wait3A_170 = tpu.memref_squeeze %dma_wait3A_169 : memref<1x256xi32, #tpu.memory_space<vmem>> -> memref<256xi32, #tpu.memory_space<vmem>>
        %dma_wait3A_171 = arith.constant 0 : i32
        %dma_wait3A_172 = arith.constant 0 : i32
        %dma_wait3A_173 = tpu.memref_slice %arg14[%dma_wait3A_171, %dma_wait3A_172] : memref<10240x32xf32, #tpu.memory_space<vmem_shared>> -> memref<10240x32xf32, #tpu.memory_space<vmem_shared>>
        tpu.wait_indirect_dma semaphore(%arg16 : memref<!tpu.dma_semaphore, #tpu.memory_space<semaphore_mem>>) src(%dma_wait3A_173 : memref<10240x32xf32, #tpu.memory_space<vmem_shared>>) dst(%arg10 : memref<256x32xf32, #tpu.memory_space<vmem>>)
        %mul3A_174 = arith.constant 2 : i32
        %mul3A_175 = arith.muli %scan3A_119, %mul3A_174 : i32
        %add3A_176 = arith.constant 1 : i32
        %add3A_177 = arith.addi %mul3A_175, %add3A_176 : i32
        %dma_start3A_178 = arith.constant 0 : i32
        %dma_start3A_179 = tpu.memref_slice %arg8[%add3A_177, %dma_start3A_178] : memref<80x256xi32, #tpu.memory_space<vmem>> -> memref<1x256xi32, #tpu.memory_space<vmem>>
        %dma_start3A_180 = tpu.memref_squeeze %dma_start3A_179 : memref<1x256xi32, #tpu.memory_space<vmem>> -> memref<256xi32, #tpu.memory_space<vmem>>
        %dma_start3A_181 = arith.constant 0 : i32
        %dma_start3A_182 = arith.constant 0 : i32
        %dma_start3A_183 = tpu.memref_slice %arg13[%dma_start3A_181, %dma_start3A_182] : memref<10240x32xf32, #tpu.memory_space<vmem_shared>> -> memref<10240x32xf32, #tpu.memory_space<vmem_shared>>
        tpu.enqueue_indirect_dma source(%arg10 : memref<256x32xf32, #tpu.memory_space<vmem>>) target(%dma_start3A_183 : memref<10240x32xf32, #tpu.memory_space<vmem_shared>>) offsets(%dma_start3A_180 : memref<256xi32, #tpu.memory_space<vmem>>) semaphore(%arg18 : memref<!tpu.dma_semaphore, #tpu.memory_space<semaphore_mem>>) {add = true}
        %scan3A_184 = arith.constant 0 : i32
        scf.yield %scan3A_184 : i32
      }
      %scan3A_77 = arith.constant 40 : i32
      %dma_wait3A_78 = arith.constant 0 : i32
      %dma_wait3A_79 = arith.constant 0 : i32
      %dma_wait3A_80 = tpu.memref_slice %arg8[%dma_wait3A_78, %dma_wait3A_79] : memref<80x256xi32, #tpu.memory_space<vmem>> -> memref<1x256xi32, #tpu.memory_space<vmem>>
      %dma_wait3A_81 = tpu.memref_squeeze %dma_wait3A_80 : memref<1x256xi32, #tpu.memory_space<vmem>> -> memref<256xi32, #tpu.memory_space<vmem>>
      %dma_wait3A_82 = arith.constant 0 : i32
      %dma_wait3A_83 = arith.constant 0 : i32
      %dma_wait3A_84 = tpu.memref_slice %arg13[%dma_wait3A_82, %dma_wait3A_83] : memref<10240x32xf32, #tpu.memory_space<vmem_shared>> -> memref<10240x32xf32, #tpu.memory_space<vmem_shared>>
      tpu.wait_indirect_dma semaphore(%arg17 : memref<!tpu.dma_semaphore, #tpu.memory_space<semaphore_mem>>) src(%arg9 : memref<256x32xf32, #tpu.memory_space<vmem>>) dst(%dma_wait3A_84 : memref<10240x32xf32, #tpu.memory_space<vmem_shared>>)
      %dma_wait3A_85 = arith.constant 0 : i32
      %dma_wait3A_86 = arith.constant 0 : i32
      %dma_wait3A_87 = tpu.memref_slice %arg8[%dma_wait3A_85, %dma_wait3A_86] : memref<80x256xi32, #tpu.memory_space<vmem>> -> memref<1x256xi32, #tpu.memory_space<vmem>>
      %dma_wait3A_88 = tpu.memref_squeeze %dma_wait3A_87 : memref<1x256xi32, #tpu.memory_space<vmem>> -> memref<256xi32, #tpu.memory_space<vmem>>
      %dma_wait3A_89 = arith.constant 0 : i32
      %dma_wait3A_90 = arith.constant 0 : i32
      %dma_wait3A_91 = tpu.memref_slice %arg13[%dma_wait3A_89, %dma_wait3A_90] : memref<10240x32xf32, #tpu.memory_space<vmem_shared>> -> memref<10240x32xf32, #tpu.memory_space<vmem_shared>>
      tpu.wait_indirect_dma semaphore(%arg18 : memref<!tpu.dma_semaphore, #tpu.memory_space<semaphore_mem>>) src(%arg10 : memref<256x32xf32, #tpu.memory_space<vmem>>) dst(%dma_wait3A_91 : memref<10240x32xf32, #tpu.memory_space<vmem_shared>>)
      %barrier3A_92 = arith.constant 0 : index
      tpu.barrier barrier_id(%barrier3A_92)
      "tpu.region"() ({
        %run_scoped3A = tpu.sem_alloc : memref<!tpu.dma_semaphore, #tpu.memory_space<semaphore_mem>>
        %dma_start3A = arith.constant 0 : i32
        %dma_start3A_119 = tpu.memref_slice %arg13[%mul3A_0, %dma_start3A] : memref<10240x32xf32, #tpu.memory_space<vmem_shared>> -> memref<640x32xf32, #tpu.memory_space<vmem_shared>>
        %dma_start3A_120 = arith.constant 0 : i32
        %dma_start3A_121 = tpu.memref_slice %arg13[%mul3A_0, %dma_start3A_120] : memref<10240x32xf32, #tpu.memory_space<vmem_shared>> -> memref<640x32xf32, #tpu.memory_space<vmem_shared>>
        tpu.enqueue_dma source(%dma_start3A_121 : memref<640x32xf32, #tpu.memory_space<vmem_shared>>) target(%arg11 : memref<640x32xf32, #tpu.memory_space<vmem>>) target_semaphore(%run_scoped3A : memref<!tpu.dma_semaphore, #tpu.memory_space<semaphore_mem>>)
        %dma_wait3A_122 = arith.constant 0 : i32
        %dma_wait3A_123 = tpu.memref_slice %arg13[%mul3A_0, %dma_wait3A_122] : memref<10240x32xf32, #tpu.memory_space<vmem_shared>> -> memref<640x32xf32, #tpu.memory_space<vmem_shared>>
        %dma_wait3A_124 = arith.constant 0 : i32
        %dma_wait3A_125 = tpu.memref_slice %arg13[%mul3A_0, %dma_wait3A_124] : memref<10240x32xf32, #tpu.memory_space<vmem_shared>> -> memref<640x32xf32, #tpu.memory_space<vmem_shared>>
        tpu.wait_dma2 semaphore(%run_scoped3A : memref<!tpu.dma_semaphore, #tpu.memory_space<semaphore_mem>>) src(%dma_wait3A_125 : memref<640x32xf32, #tpu.memory_space<vmem_shared>>) dst(%arg11 : memref<640x32xf32, #tpu.memory_space<vmem>>)
        tpu.yield
      }) : () -> ()
      %scan3A_93 = arith.constant 0 : i32
      %scan3A_94 = arith.constant 0 : i32
      %scan3A_95 = arith.constant 640 : i32
      %scan3A_96 = arith.addi %scan3A_94, %scan3A_95 : i32
      %scan3A_97 = arith.constant 1 : i32
      %scan3A_98 = scf.for %scan3A_119 = %scan3A_94 to %scan3A_96 step %scan3A_97 iter_args(%scan3A_120 = %scan3A_93) -> (i32)  : i32 {
        %get3A = arith.constant 0 : i32
        %get3A_121 = tpu.memref_slice %arg12[%scan3A_119, %get3A] : memref<640x16xf32, #tpu.memory_space<vmem>> -> memref<1x16xf32, #tpu.memory_space<vmem>>
        %get3A_122 = tpu.memref_squeeze %get3A_121 : memref<1x16xf32, #tpu.memory_space<vmem>> -> memref<16xf32, #tpu.memory_space<vmem>>
        %get3A_123 = arith.constant 0 : index
        %get3A_124 = tpu.vector_load %get3A_122[%get3A_123] {strides = array<i32>} : memref<16xf32, #tpu.memory_space<vmem>>, vector<16xf32>,
        %get3A_125 = vector.shape_cast %get3A_124 : vector<16xf32> to vector<16xf32>
        %get3A_126 = arith.constant 0 : i32
        %get3A_127 = tpu.memref_slice %arg11[%scan3A_119, %get3A_126] : memref<640x32xf32, #tpu.memory_space<vmem>> -> memref<1x32xf32, #tpu.memory_space<vmem>>
        %get3A_128 = tpu.memref_squeeze %get3A_127 : memref<1x32xf32, #tpu.memory_space<vmem>> -> memref<32xf32, #tpu.memory_space<vmem>>
        %get3A_129 = arith.constant 0 : index
        %get3A_130 = tpu.vector_load %get3A_128[%get3A_129] {strides = array<i32>} : memref<32xf32, #tpu.memory_space<vmem>>, vector<16xf32>,
        %get3A_131 = vector.shape_cast %get3A_130 : vector<16xf32> to vector<16xf32>
        %mul3A_132 = arith.mulf %get3A_131, %get3A_125 : vector<16xf32>
        %swap3A = arith.constant 0 : i32
        %swap3A_133 = tpu.memref_slice %arg11[%scan3A_119, %swap3A] : memref<640x32xf32, #tpu.memory_space<vmem>> -> memref<1x32xf32, #tpu.memory_space<vmem>>
        %swap3A_134 = tpu.memref_squeeze %swap3A_133 : memref<1x32xf32, #tpu.memory_space<vmem>> -> memref<32xf32, #tpu.memory_space<vmem>>
        %swap3A_135 = arith.constant 0 : index
        %swap3A_136 = tpu.vector_load %swap3A_134[%swap3A_135] {strides = array<i32>} : memref<32xf32, #tpu.memory_space<vmem>>, vector<16xf32>,
        %swap3A_137 = vector.shape_cast %swap3A_136 : vector<16xf32> to vector<16xf32>
        %swap3A_138 = vector.shape_cast %mul3A_132 : vector<16xf32> to vector<16xf32>
        tpu.vector_store %swap3A_134[%swap3A_135], %swap3A_138 {strides = array<i32>} : memref<32xf32, #tpu.memory_space<vmem>>, vector<16xf32>,
        %get3A_139 = arith.constant 0 : i32
        %get3A_140 = tpu.memref_slice %arg11[%scan3A_119, %get3A_139] : memref<640x32xf32, #tpu.memory_space<vmem>> -> memref<1x32xf32, #tpu.memory_space<vmem>>
        %get3A_141 = tpu.memref_squeeze %get3A_140 : memref<1x32xf32, #tpu.memory_space<vmem>> -> memref<32xf32, #tpu.memory_space<vmem>>
        %get3A_142 = arith.constant 16 : index
        %get3A_143 = tpu.vector_load %get3A_141[%get3A_142] {strides = array<i32>} : memref<32xf32, #tpu.memory_space<vmem>>, vector<16xf32>,
        %get3A_144 = vector.shape_cast %get3A_143 : vector<16xf32> to vector<16xf32>
        %mul3A_145 = arith.mulf %get3A_144, %get3A_125 : vector<16xf32>
        %swap3A_146 = arith.constant 0 : i32
        %swap3A_147 = tpu.memref_slice %arg11[%scan3A_119, %swap3A_146] : memref<640x32xf32, #tpu.memory_space<vmem>> -> memref<1x32xf32, #tpu.memory_space<vmem>>
        %swap3A_148 = tpu.memref_squeeze %swap3A_147 : memref<1x32xf32, #tpu.memory_space<vmem>> -> memref<32xf32, #tpu.memory_space<vmem>>
        %swap3A_149 = arith.constant 16 : index
        %swap3A_150 = tpu.vector_load %swap3A_148[%swap3A_149] {strides = array<i32>} : memref<32xf32, #tpu.memory_space<vmem>>, vector<16xf32>,
        %swap3A_151 = vector.shape_cast %swap3A_150 : vector<16xf32> to vector<16xf32>
        %swap3A_152 = vector.shape_cast %mul3A_145 : vector<16xf32> to vector<16xf32>
        tpu.vector_store %swap3A_148[%swap3A_149], %swap3A_152 {strides = array<i32>} : memref<32xf32, #tpu.memory_space<vmem>>, vector<16xf32>,
        %scan3A_153 = arith.constant 0 : i32
        scf.yield %scan3A_153 : i32
      }
      %scan3A_99 = arith.constant 640 : i32
      %jit3A = arith.constant 2 : i32
      %eq3A = arith.constant 0 : i32
      %eq3A_100 = arith.cmpi eq, %jit3A, %eq3A : i32
      %jit3A_101 = arith.constant 1 : i32
      %select_n3A = arith.select %eq3A_100, %jit3A_101, %jit3A : i32
      %rem3A = arith.remsi %scan3A_69, %select_n3A : i32
      %ne3A = arith.constant 0 : i32
      %ne3A_102 = arith.cmpi ne, %rem3A, %ne3A : i32
      %lt3A = arith.constant 0 : i32
      %lt3A_103 = arith.cmpi slt, %rem3A, %lt3A : i32
      %lt3A_104 = arith.constant 0 : i32
      %lt3A_105 = arith.cmpi slt, %select_n3A, %lt3A_104 : i32
      %ne3A_106 = arith.xori %lt3A_103, %lt3A_105 : i1
      %and3A = arith.andi %ne3A_106, %ne3A_102 : i1
      %add3A_107 = arith.addi %rem3A, %select_n3A : i32
      %select_n3A_108 = arith.select %and3A, %add3A_107, %rem3A : i32
      %eq3A_109 = arith.constant 0 : i32
      %eq3A_110 = arith.cmpi eq, %select_n3A_108, %eq3A_109 : i32
      %convert_element_type3A = arith.extui %eq3A_110 : i1 to i32
      %cond3A = arith.constant 0 : i32
      %cond3A_111 = arith.cmpi ne, %convert_element_type3A, %cond3A : i32
      scf.if %cond3A_111 {
        %jit3A_119 = arith.constant 2 : i32
        %div3A = arith.divsi %scan3A_69, %jit3A_119 : i32
        %sign3A = arith.constant 0 : i32
        %sign3A_120 = arith.cmpi sgt, %scan3A_69, %sign3A : i32
        %sign3A_121 = arith.extui %sign3A_120 : i1 to i32
        %sign3A_122 = arith.constant 0 : i32
        %sign3A_123 = arith.cmpi slt, %scan3A_69, %sign3A_122 : i32
        %sign3A_124 = arith.extui %sign3A_123 : i1 to i32
        %sign3A_125 = arith.subi %sign3A_121, %sign3A_124 : i32
        %sign3A_126 = arith.constant 0 : i32
        %sign3A_127 = arith.cmpi sgt, %jit3A_119, %sign3A_126 : i32
        %sign3A_128 = arith.extui %sign3A_127 : i1 to i32
        %sign3A_129 = arith.constant 0 : i32
        %sign3A_130 = arith.cmpi slt, %jit3A_119, %sign3A_129 : i32
        %sign3A_131 = arith.extui %sign3A_130 : i1 to i32
        %sign3A_132 = arith.subi %sign3A_128, %sign3A_131 : i32
        %ne3A_133 = arith.cmpi ne, %sign3A_125, %sign3A_132 : i32
        %rem3A_134 = arith.remsi %scan3A_69, %jit3A_119 : i32
        %ne3A_135 = arith.constant 0 : i32
        %ne3A_136 = arith.cmpi ne, %rem3A_134, %ne3A_135 : i32
        %and3A_137 = arith.andi %ne3A_133, %ne3A_136 : i1
        %sub3A = arith.constant 1 : i32
        %sub3A_138 = arith.subi %div3A, %sub3A : i32
        %select_n3A_139 = arith.select %and3A_137, %sub3A_138, %div3A : i32
        %sub3A_140 = arith.constant 1 : i32
        %sub3A_141 = arith.subi %select_n3A_139, %sub3A_140 : i32
        "tpu.region"() ({
          %run_scoped3A = tpu.sem_alloc : memref<!tpu.dma_semaphore, #tpu.memory_space<semaphore_mem>>
          %dma_start3A = arith.constant 0 : i32
          %dma_start3A_142 = tpu.memref_slice %arg6[%arg0, %sub3A_141, %mul3A_0, %dma_start3A] : memref<2x5x10240x32xf32, #tpu.memory_space<hbm>> -> memref<1x1x640x32xf32, #tpu.memory_space<hbm>>
          %dma_start3A_143 = tpu.memref_squeeze %dma_start3A_142 : memref<1x1x640x32xf32, #tpu.memory_space<hbm>> -> memref<640x32xf32, #tpu.memory_space<hbm>>
          %dma_start3A_144 = arith.constant 0 : i32
          %dma_start3A_145 = tpu.memref_slice %arg6[%arg0, %sub3A_141, %mul3A_0, %dma_start3A_144] : memref<2x5x10240x32xf32, #tpu.memory_space<hbm>> -> memref<1x1x640x32xf32, #tpu.memory_space<hbm>>
          %dma_start3A_146 = tpu.memref_squeeze %dma_start3A_145 : memref<1x1x640x32xf32, #tpu.memory_space<hbm>> -> memref<640x32xf32, #tpu.memory_space<hbm>>
          tpu.enqueue_dma source(%arg11 : memref<640x32xf32, #tpu.memory_space<vmem>>) target(%dma_start3A_146 : memref<640x32xf32, #tpu.memory_space<hbm>>) target_semaphore(%run_scoped3A : memref<!tpu.dma_semaphore, #tpu.memory_space<semaphore_mem>>)
          %dma_wait3A_147 = arith.constant 0 : i32
          %dma_wait3A_148 = tpu.memref_slice %arg6[%arg0, %sub3A_141, %mul3A_0, %dma_wait3A_147] : memref<2x5x10240x32xf32, #tpu.memory_space<hbm>> -> memref<1x1x640x32xf32, #tpu.memory_space<hbm>>
          %dma_wait3A_149 = tpu.memref_squeeze %dma_wait3A_148 : memref<1x1x640x32xf32, #tpu.memory_space<hbm>> -> memref<640x32xf32, #tpu.memory_space<hbm>>
          %dma_wait3A_150 = arith.constant 0 : i32
          %dma_wait3A_151 = tpu.memref_slice %arg6[%arg0, %sub3A_141, %mul3A_0, %dma_wait3A_150] : memref<2x5x10240x32xf32, #tpu.memory_space<hbm>> -> memref<1x1x640x32xf32, #tpu.memory_space<hbm>>
          %dma_wait3A_152 = tpu.memref_squeeze %dma_wait3A_151 : memref<1x1x640x32xf32, #tpu.memory_space<hbm>> -> memref<640x32xf32, #tpu.memory_space<hbm>>
          tpu.wait_dma2 semaphore(%run_scoped3A : memref<!tpu.dma_semaphore, #tpu.memory_space<semaphore_mem>>) src(%arg11 : memref<640x32xf32, #tpu.memory_space<vmem>>) dst(%dma_wait3A_152 : memref<640x32xf32, #tpu.memory_space<hbm>>)
          tpu.yield
        }) : () -> ()
      } else {
      }
      %lt3A_112 = arith.constant 10 : i32
      %lt3A_113 = arith.cmpi slt, %scan3A_69, %lt3A_112 : i32
      %convert_element_type3A_114 = arith.extui %lt3A_113 : i1 to i32
      %cond3A_115 = arith.constant 0 : i32
      %cond3A_116 = arith.cmpi ne, %convert_element_type3A_114, %cond3A_115 : i32
      scf.if %cond3A_116 {
        %scan3A_119 = arith.constant 0 : i32
        %scan3A_120 = arith.constant 0 : i32
        %scan3A_121 = arith.constant 640 : i32
        %scan3A_122 = arith.addi %scan3A_120, %scan3A_121 : i32
        %scan3A_123 = arith.constant 1 : i32
        %scan3A_124 = scf.for %scan3A_133 = %scan3A_120 to %scan3A_122 step %scan3A_123 iter_args(%scan3A_134 = %scan3A_119) -> (i32)  : i32 {
          %get3A = arith.constant 0 : i32
          %get3A_135 = tpu.memref_slice %arg12[%scan3A_133, %get3A] : memref<640x16xf32, #tpu.memory_space<vmem>> -> memref<1x16xf32, #tpu.memory_space<vmem>>
          %get3A_136 = tpu.memref_squeeze %get3A_135 : memref<1x16xf32, #tpu.memory_space<vmem>> -> memref<16xf32, #tpu.memory_space<vmem>>
          %get3A_137 = arith.constant 0 : index
          %get3A_138 = tpu.vector_load %get3A_136[%get3A_137] {strides = array<i32>} : memref<16xf32, #tpu.memory_space<vmem>>, vector<16xf32>,
          %get3A_139 = vector.shape_cast %get3A_138 : vector<16xf32> to vector<16xf32>
          %get3A_140 = arith.constant 0 : i32
          %get3A_141 = tpu.memref_slice %arg11[%scan3A_133, %get3A_140] : memref<640x32xf32, #tpu.memory_space<vmem>> -> memref<1x32xf32, #tpu.memory_space<vmem>>
          %get3A_142 = tpu.memref_squeeze %get3A_141 : memref<1x32xf32, #tpu.memory_space<vmem>> -> memref<32xf32, #tpu.memory_space<vmem>>
          %get3A_143 = arith.constant 0 : index
          %get3A_144 = tpu.vector_load %get3A_142[%get3A_143] {strides = array<i32>} : memref<32xf32, #tpu.memory_space<vmem>>, vector<16xf32>,
          %get3A_145 = vector.shape_cast %get3A_144 : vector<16xf32> to vector<16xf32>
          %mul3A_146 = arith.mulf %get3A_145, %get3A_139 : vector<16xf32>
          %swap3A = arith.constant 0 : i32
          %swap3A_147 = tpu.memref_slice %arg11[%scan3A_133, %swap3A] : memref<640x32xf32, #tpu.memory_space<vmem>> -> memref<1x32xf32, #tpu.memory_space<vmem>>
          %swap3A_148 = tpu.memref_squeeze %swap3A_147 : memref<1x32xf32, #tpu.memory_space<vmem>> -> memref<32xf32, #tpu.memory_space<vmem>>
          %swap3A_149 = arith.constant 0 : index
          %swap3A_150 = tpu.vector_load %swap3A_148[%swap3A_149] {strides = array<i32>} : memref<32xf32, #tpu.memory_space<vmem>>, vector<16xf32>,
          %swap3A_151 = vector.shape_cast %swap3A_150 : vector<16xf32> to vector<16xf32>
          %swap3A_152 = vector.shape_cast %mul3A_146 : vector<16xf32> to vector<16xf32>
          tpu.vector_store %swap3A_148[%swap3A_149], %swap3A_152 {strides = array<i32>} : memref<32xf32, #tpu.memory_space<vmem>>, vector<16xf32>,
          %get3A_153 = arith.constant 0 : i32
          %get3A_154 = tpu.memref_slice %arg11[%scan3A_133, %get3A_153] : memref<640x32xf32, #tpu.memory_space<vmem>> -> memref<1x32xf32, #tpu.memory_space<vmem>>
          %get3A_155 = tpu.memref_squeeze %get3A_154 : memref<1x32xf32, #tpu.memory_space<vmem>> -> memref<32xf32, #tpu.memory_space<vmem>>
          %get3A_156 = arith.constant 16 : index
          %get3A_157 = tpu.vector_load %get3A_155[%get3A_156] {strides = array<i32>} : memref<32xf32, #tpu.memory_space<vmem>>, vector<16xf32>,
          %get3A_158 = vector.shape_cast %get3A_157 : vector<16xf32> to vector<16xf32>
          %mul3A_159 = arith.mulf %get3A_158, %get3A_139 : vector<16xf32>
          %swap3A_160 = arith.constant 0 : i32
          %swap3A_161 = tpu.memref_slice %arg11[%scan3A_133, %swap3A_160] : memref<640x32xf32, #tpu.memory_space<vmem>> -> memref<1x32xf32, #tpu.memory_space<vmem>>
          %swap3A_162 = tpu.memref_squeeze %swap3A_161 : memref<1x32xf32, #tpu.memory_space<vmem>> -> memref<32xf32, #tpu.memory_space<vmem>>
          %swap3A_163 = arith.constant 16 : index
          %swap3A_164 = tpu.vector_load %swap3A_162[%swap3A_163] {strides = array<i32>} : memref<32xf32, #tpu.memory_space<vmem>>, vector<16xf32>,
          %swap3A_165 = vector.shape_cast %swap3A_164 : vector<16xf32> to vector<16xf32>
          %swap3A_166 = vector.shape_cast %mul3A_159 : vector<16xf32> to vector<16xf32>
          tpu.vector_store %swap3A_162[%swap3A_163], %swap3A_166 {strides = array<i32>} : memref<32xf32, #tpu.memory_space<vmem>>, vector<16xf32>,
          %scan3A_167 = arith.constant 0 : i32
          scf.yield %scan3A_167 : i32
        }
        %scan3A_125 = arith.constant 640 : i32
        "tpu.region"() ({
          %run_scoped3A = tpu.sem_alloc : memref<!tpu.dma_semaphore, #tpu.memory_space<semaphore_mem>>
          %dma_start3A = arith.constant 0 : i32
          %dma_start3A_133 = tpu.memref_slice %arg14[%mul3A_0, %dma_start3A] : memref<10240x32xf32, #tpu.memory_space<vmem_shared>> -> memref<640x32xf32, #tpu.memory_space<vmem_shared>>
          %dma_start3A_134 = arith.constant 0 : i32
          %dma_start3A_135 = tpu.memref_slice %arg14[%mul3A_0, %dma_start3A_134] : memref<10240x32xf32, #tpu.memory_space<vmem_shared>> -> memref<640x32xf32, #tpu.memory_space<vmem_shared>>
          tpu.enqueue_dma source(%arg11 : memref<640x32xf32, #tpu.memory_space<vmem>>) target(%dma_start3A_135 : memref<640x32xf32, #tpu.memory_space<vmem_shared>>) target_semaphore(%run_scoped3A : memref<!tpu.dma_semaphore, #tpu.memory_space<semaphore_mem>>)
          %dma_wait3A_136 = arith.constant 0 : i32
          %dma_wait3A_137 = tpu.memref_slice %arg14[%mul3A_0, %dma_wait3A_136] : memref<10240x32xf32, #tpu.memory_space<vmem_shared>> -> memref<640x32xf32, #tpu.memory_space<vmem_shared>>
          %dma_wait3A_138 = arith.constant 0 : i32
          %dma_wait3A_139 = tpu.memref_slice %arg14[%mul3A_0, %dma_wait3A_138] : memref<10240x32xf32, #tpu.memory_space<vmem_shared>> -> memref<640x32xf32, #tpu.memory_space<vmem_shared>>
          tpu.wait_dma2 semaphore(%run_scoped3A : memref<!tpu.dma_semaphore, #tpu.memory_space<semaphore_mem>>) src(%arg11 : memref<640x32xf32, #tpu.memory_space<vmem>>) dst(%dma_wait3A_139 : memref<640x32xf32, #tpu.memory_space<vmem_shared>>)
          tpu.yield
        }) : () -> ()
        %scan3A_126 = arith.constant 0 : i32
        %scan3A_127 = arith.constant 0 : i32
        %scan3A_128 = arith.constant 640 : i32
        %scan3A_129 = arith.addi %scan3A_127, %scan3A_128 : i32
        %scan3A_130 = arith.constant 1 : i32
        %scan3A_131 = scf.for %scan3A_133 = %scan3A_127 to %scan3A_129 step %scan3A_130 iter_args(%scan3A_134 = %scan3A_126) -> (i32)  : i32 {
          %swap3A = arith.constant 0 : i32
          %swap3A_135 = tpu.memref_slice %arg11[%scan3A_133, %swap3A] : memref<640x32xf32, #tpu.memory_space<vmem>> -> memref<1x32xf32, #tpu.memory_space<vmem>>
          %swap3A_136 = tpu.memref_squeeze %swap3A_135 : memref<1x32xf32, #tpu.memory_space<vmem>> -> memref<32xf32, #tpu.memory_space<vmem>>
          %swap3A_137 = arith.constant 0 : index
          %swap3A_138 = tpu.vector_load %swap3A_136[%swap3A_137] {strides = array<i32>} : memref<32xf32, #tpu.memory_space<vmem>>, vector<16xf32>,
          %swap3A_139 = vector.shape_cast %swap3A_138 : vector<16xf32> to vector<16xf32>
          %swap3A_140 = vector.shape_cast %broadcast_in_dim3A_5 : vector<16xf32> to vector<16xf32>
          tpu.vector_store %swap3A_136[%swap3A_137], %swap3A_140 {strides = array<i32>} : memref<32xf32, #tpu.memory_space<vmem>>, vector<16xf32>,
          %swap3A_141 = arith.constant 0 : i32
          %swap3A_142 = tpu.memref_slice %arg11[%scan3A_133, %swap3A_141] : memref<640x32xf32, #tpu.memory_space<vmem>> -> memref<1x32xf32, #tpu.memory_space<vmem>>
          %swap3A_143 = tpu.memref_squeeze %swap3A_142 : memref<1x32xf32, #tpu.memory_space<vmem>> -> memref<32xf32, #tpu.memory_space<vmem>>
          %swap3A_144 = arith.constant 16 : index
          %swap3A_145 = tpu.vector_load %swap3A_143[%swap3A_144] {strides = array<i32>} : memref<32xf32, #tpu.memory_space<vmem>>, vector<16xf32>,
          %swap3A_146 = vector.shape_cast %swap3A_145 : vector<16xf32> to vector<16xf32>
          %swap3A_147 = vector.shape_cast %broadcast_in_dim3A_5 : vector<16xf32> to vector<16xf32>
          tpu.vector_store %swap3A_143[%swap3A_144], %swap3A_147 {strides = array<i32>} : memref<32xf32, #tpu.memory_space<vmem>>, vector<16xf32>,
          %scan3A_148 = arith.constant 0 : i32
          scf.yield %scan3A_148 : i32
        }
        %scan3A_132 = arith.constant 640 : i32
        "tpu.region"() ({
          %run_scoped3A = tpu.sem_alloc : memref<!tpu.dma_semaphore, #tpu.memory_space<semaphore_mem>>
          %dma_start3A = arith.constant 0 : i32
          %dma_start3A_133 = tpu.memref_slice %arg13[%mul3A_0, %dma_start3A] : memref<10240x32xf32, #tpu.memory_space<vmem_shared>> -> memref<640x32xf32, #tpu.memory_space<vmem_shared>>
          %dma_start3A_134 = arith.constant 0 : i32
          %dma_start3A_135 = tpu.memref_slice %arg13[%mul3A_0, %dma_start3A_134] : memref<10240x32xf32, #tpu.memory_space<vmem_shared>> -> memref<640x32xf32, #tpu.memory_space<vmem_shared>>
          tpu.enqueue_dma source(%arg11 : memref<640x32xf32, #tpu.memory_space<vmem>>) target(%dma_start3A_135 : memref<640x32xf32, #tpu.memory_space<vmem_shared>>) target_semaphore(%run_scoped3A : memref<!tpu.dma_semaphore, #tpu.memory_space<semaphore_mem>>)
          %dma_wait3A_136 = arith.constant 0 : i32
          %dma_wait3A_137 = tpu.memref_slice %arg13[%mul3A_0, %dma_wait3A_136] : memref<10240x32xf32, #tpu.memory_space<vmem_shared>> -> memref<640x32xf32, #tpu.memory_space<vmem_shared>>
          %dma_wait3A_138 = arith.constant 0 : i32
          %dma_wait3A_139 = tpu.memref_slice %arg13[%mul3A_0, %dma_wait3A_138] : memref<10240x32xf32, #tpu.memory_space<vmem_shared>> -> memref<640x32xf32, #tpu.memory_space<vmem_shared>>
          tpu.wait_dma2 semaphore(%run_scoped3A : memref<!tpu.dma_semaphore, #tpu.memory_space<semaphore_mem>>) src(%arg11 : memref<640x32xf32, #tpu.memory_space<vmem>>) dst(%dma_wait3A_139 : memref<640x32xf32, #tpu.memory_space<vmem_shared>>)
          tpu.yield
        }) : () -> ()
      } else {
      }
      %barrier3A_117 = arith.constant 0 : index
      tpu.barrier barrier_id(%barrier3A_117)
      %scan3A_118 = arith.constant 0 : i32
      scf.yield %scan3A_118 : i32
    }
    %scan3A_68 = arith.constant 10 : i32
    return
  }
}

module attributes {stable_mosaic.version = 14 : i64} {
  func.func @_mlp_body(%arg0: i32, %arg1: memref<1024x128xf32, #tpu.memory_space<vmem>>, %arg2: memref<128x64xf32, #tpu.memory_space<vmem>>, %arg3: memref<1x64xf32, #tpu.memory_space<vmem>>, %arg4: memref<64x64xf32, #tpu.memory_space<vmem>>, %arg5: memref<1x64xf32, #tpu.memory_space<vmem>>, %arg6: memref<1024x64xf32, #tpu.memory_space<vmem>>) attributes {dimension_semantics = [#tpu.dimension_semantics<arbitrary>], iteration_bounds = array<i64: 10>, scalar_prefetch = 0 : i64, scratch_operands = 0 : i64, tpu.core_type = #tpu.core_type<tc>, window_params = [{transform_indices = @transform_0, window_bounds = array<i64: 1024, 128>}, {pipeline_mode = #tpu.pipeline_mode<synchronous>, transform_indices = @transform_1, window_bounds = array<i64: 128, 64>}, {pipeline_mode = #tpu.pipeline_mode<synchronous>, transform_indices = @transform_2, window_bounds = array<i64: 1, 64>}, {pipeline_mode = #tpu.pipeline_mode<synchronous>, transform_indices = @transform_3, window_bounds = array<i64: 64, 64>}, {pipeline_mode = #tpu.pipeline_mode<synchronous>, transform_indices = @transform_4, window_bounds = array<i64: 1, 64>}, {transform_indices = @transform_5, window_bounds = array<i64: 1024, 64>}]} {
    %get3A = arith.constant 0 : index
    %get3A_0 = arith.constant 0 : index
    %get3A_1 = vector.load %arg1[%get3A, %get3A_0] : memref<1024x128xf32, #tpu.memory_space<vmem>>, vector<1024x128xf32>
    %get3A_2 = arith.constant 0 : index
    %get3A_3 = arith.constant 0 : index
    %get3A_4 = vector.load %arg2[%get3A_2, %get3A_3] : memref<128x64xf32, #tpu.memory_space<vmem>>, vector<128x64xf32>
    %dot_general3A = arith.constant dense<0.000000e+00> : vector<1024x64xf32>
    %dot_general3A_5 = tpu.matmul %get3A_1, %get3A_4, %dot_general3A {dimension_numbers = #tpu.dot_dimension_numbers<[1], [0], [0], [1], [0, 0, 1, 1], [], []>, transpose_lhs_hint = false} : vector<1024x128xf32>, vector<128x64xf32>, vector<1024x64xf32> -> vector<1024x64xf32>
    %get3A_6 = arith.constant 0 : index
    %get3A_7 = arith.constant 0 : index
    %get3A_8 = vector.load %arg3[%get3A_6, %get3A_7] : memref<1x64xf32, #tpu.memory_space<vmem>>, vector<1x64xf32>
    %add3A = vector.broadcast %get3A_8 : vector<1x64xf32> to vector<1024x64xf32>
    %add3A_9 = arith.addf %dot_general3A_5, %add3A : vector<1024x64xf32>
    %max3A = arith.constant 0.000000e+00 : f32
    %max3A_10 = vector.broadcast %max3A : f32 to vector<1024x64xf32>
    %max3A_11 = arith.maximumf %add3A_9, %max3A_10 : vector<1024x64xf32>
    %get3A_12 = arith.constant 0 : index
    %get3A_13 = arith.constant 0 : index
    %get3A_14 = vector.load %arg4[%get3A_12, %get3A_13] : memref<64x64xf32, #tpu.memory_space<vmem>>, vector<64x64xf32>
    %dot_general3A_15 = arith.constant dense<0.000000e+00> : vector<1024x64xf32>
    %dot_general3A_16 = tpu.matmul %max3A_11, %get3A_14, %dot_general3A_15 {dimension_numbers = #tpu.dot_dimension_numbers<[1], [0], [0], [1], [0, 0, 1, 1], [], []>, transpose_lhs_hint = false} : vector<1024x64xf32>, vector<64x64xf32>, vector<1024x64xf32> -> vector<1024x64xf32>
    %get3A_17 = arith.constant 0 : index
    %get3A_18 = arith.constant 0 : index
    %get3A_19 = vector.load %arg5[%get3A_17, %get3A_18] : memref<1x64xf32, #tpu.memory_space<vmem>>, vector<1x64xf32>
    %add3A_20 = vector.broadcast %get3A_19 : vector<1x64xf32> to vector<1024x64xf32>
    %add3A_21 = arith.addf %dot_general3A_16, %add3A_20 : vector<1024x64xf32>
    %swap3A = arith.constant 0 : index
    %swap3A_22 = arith.constant 0 : index
    %swap3A_23 = vector.load %arg6[%swap3A, %swap3A_22] : memref<1024x64xf32, #tpu.memory_space<vmem>>, vector<1024x64xf32>
    tpu.vector_store %arg6[%swap3A, %swap3A_22], %add3A_21 {strides = array<i32>} : memref<1024x64xf32, #tpu.memory_space<vmem>>, vector<1024x64xf32>,
    return
  }
  func.func @transform_0(%arg0: i32) -> (i32, i32) {
    %c0_i32 = arith.constant 0 : i32
    %c0_i32_0 = arith.constant 0 : i32
    return %arg0, %c0_i32 : i32, i32
  }
  func.func @transform_1(%arg0: i32) -> (i32, i32) {
    %c0_i32 = arith.constant 0 : i32
    %c0_i32_0 = arith.constant 0 : i32
    %c0_i32_1 = arith.constant 0 : i32
    return %c0_i32, %c0_i32_0 : i32, i32
  }
  func.func @transform_2(%arg0: i32) -> (i32, i32) {
    %c0_i32 = arith.constant 0 : i32
    %c0_i32_0 = arith.constant 0 : i32
    %c0_i32_1 = arith.constant 0 : i32
    return %c0_i32, %c0_i32_0 : i32, i32
  }
  func.func @transform_3(%arg0: i32) -> (i32, i32) {
    %c0_i32 = arith.constant 0 : i32
    %c0_i32_0 = arith.constant 0 : i32
    %c0_i32_1 = arith.constant 0 : i32
    return %c0_i32, %c0_i32_0 : i32, i32
  }
  func.func @transform_4(%arg0: i32) -> (i32, i32) {
    %c0_i32 = arith.constant 0 : i32
    %c0_i32_0 = arith.constant 0 : i32
    %c0_i32_1 = arith.constant 0 : i32
    return %c0_i32, %c0_i32_0 : i32, i32
  }
  func.func @transform_5(%arg0: i32) -> (i32, i32) {
    %c0_i32 = arith.constant 0 : i32
    %c0_i32_0 = arith.constant 0 : i32
    return %arg0, %c0_i32 : i32, i32
  }
}

module attributes {stable_mosaic.version = 14 : i64} {
  func.func @_final_body(%arg0: i32, %arg1: memref<6xf32, #tpu.memory_space<smem>>, %arg2: memref<1000x64xf32, #tpu.memory_space<vmem>>, %arg3: memref<2x5x1000x32xf32, #tpu.memory_space<vmem>>, %arg4: memref<1000x64xf32, #tpu.memory_space<vmem>>) attributes {dimension_semantics = [#tpu.dimension_semantics<arbitrary>], iteration_bounds = array<i64: 10>, scalar_prefetch = 0 : i64, scratch_operands = 0 : i64, tpu.core_type = #tpu.core_type<tc>, window_params = [{transform_indices = @transform_0, window_bounds = array<i64: 6>}, {transform_indices = @transform_1, window_bounds = array<i64: 1000, 64>}, {transform_indices = @transform_2, window_bounds = array<i64: 2, 5, 1000, 32>}, {transform_indices = @transform_3, window_bounds = array<i64: 1000, 64>}]} {
    %get3A = arith.constant 0 : index
    %get3A_0 = memref.load %arg1[%get3A] : memref<6xf32, #tpu.memory_space<smem>>
    %get3A_1 = arith.constant 0 : index
    %get3A_2 = arith.constant 0 : index
    %get3A_3 = vector.load %arg2[%get3A_1, %get3A_2] : memref<1000x64xf32, #tpu.memory_space<vmem>>, vector<1000x64xf32>
    %mul3A = vector.broadcast %get3A_0 : f32 to vector<1000x64xf32>
    %mul3A_4 = arith.mulf %mul3A, %get3A_3 : vector<1000x64xf32>
    %get3A_5 = arith.constant 0 : index
    %get3A_6 = arith.constant 0 : index
    %get3A_7 = arith.constant 0 : index
    %get3A_8 = arith.constant 0 : index
    %get3A_9 = vector.load %arg3[%get3A_5, %get3A_6, %get3A_7, %get3A_8] : memref<2x5x1000x32xf32, #tpu.memory_space<vmem>>, vector<1x1x1000x32xf32>
    %get3A_10 = vector.shape_cast %get3A_9 : vector<1x1x1000x32xf32> to vector<1000x32xf32>
    %get3A_11 = arith.constant 1 : index
    %get3A_12 = arith.constant 0 : index
    %get3A_13 = arith.constant 0 : index
    %get3A_14 = arith.constant 0 : index
    %get3A_15 = vector.load %arg3[%get3A_11, %get3A_12, %get3A_13, %get3A_14] : memref<2x5x1000x32xf32, #tpu.memory_space<vmem>>, vector<1x1x1000x32xf32>
    %get3A_16 = vector.shape_cast %get3A_15 : vector<1x1x1000x32xf32> to vector<1000x32xf32>
    %concatenate3A = tpu.concatenate %get3A_10, %get3A_16 in 1 : vector<1000x32xf32>, vector<1000x32xf32> -> vector<1000x64xf32>
    %get3A_17 = arith.constant 1 : index
    %get3A_18 = memref.load %arg1[%get3A_17] : memref<6xf32, #tpu.memory_space<smem>>
    %mul3A_19 = vector.broadcast %get3A_18 : f32 to vector<1000x64xf32>
    %mul3A_20 = arith.mulf %mul3A_19, %concatenate3A : vector<1000x64xf32>
    %add3A = arith.addf %mul3A_4, %mul3A_20 : vector<1000x64xf32>
    %get3A_21 = arith.constant 0 : index
    %get3A_22 = arith.constant 1 : index
    %get3A_23 = arith.constant 0 : index
    %get3A_24 = arith.constant 0 : index
    %get3A_25 = vector.load %arg3[%get3A_21, %get3A_22, %get3A_23, %get3A_24] : memref<2x5x1000x32xf32, #tpu.memory_space<vmem>>, vector<1x1x1000x32xf32>
    %get3A_26 = vector.shape_cast %get3A_25 : vector<1x1x1000x32xf32> to vector<1000x32xf32>
    %get3A_27 = arith.constant 1 : index
    %get3A_28 = arith.constant 1 : index
    %get3A_29 = arith.constant 0 : index
    %get3A_30 = arith.constant 0 : index
    %get3A_31 = vector.load %arg3[%get3A_27, %get3A_28, %get3A_29, %get3A_30] : memref<2x5x1000x32xf32, #tpu.memory_space<vmem>>, vector<1x1x1000x32xf32>
    %get3A_32 = vector.shape_cast %get3A_31 : vector<1x1x1000x32xf32> to vector<1000x32xf32>
    %concatenate3A_33 = tpu.concatenate %get3A_26, %get3A_32 in 1 : vector<1000x32xf32>, vector<1000x32xf32> -> vector<1000x64xf32>
    %get3A_34 = arith.constant 2 : index
    %get3A_35 = memref.load %arg1[%get3A_34] : memref<6xf32, #tpu.memory_space<smem>>
    %mul3A_36 = vector.broadcast %get3A_35 : f32 to vector<1000x64xf32>
    %mul3A_37 = arith.mulf %mul3A_36, %concatenate3A_33 : vector<1000x64xf32>
    %add3A_38 = arith.addf %add3A, %mul3A_37 : vector<1000x64xf32>
    %get3A_39 = arith.constant 0 : index
    %get3A_40 = arith.constant 2 : index
    %get3A_41 = arith.constant 0 : index
    %get3A_42 = arith.constant 0 : index
    %get3A_43 = vector.load %arg3[%get3A_39, %get3A_40, %get3A_41, %get3A_42] : memref<2x5x1000x32xf32, #tpu.memory_space<vmem>>, vector<1x1x1000x32xf32>
    %get3A_44 = vector.shape_cast %get3A_43 : vector<1x1x1000x32xf32> to vector<1000x32xf32>
    %get3A_45 = arith.constant 1 : index
    %get3A_46 = arith.constant 2 : index
    %get3A_47 = arith.constant 0 : index
    %get3A_48 = arith.constant 0 : index
    %get3A_49 = vector.load %arg3[%get3A_45, %get3A_46, %get3A_47, %get3A_48] : memref<2x5x1000x32xf32, #tpu.memory_space<vmem>>, vector<1x1x1000x32xf32>
    %get3A_50 = vector.shape_cast %get3A_49 : vector<1x1x1000x32xf32> to vector<1000x32xf32>
    %concatenate3A_51 = tpu.concatenate %get3A_44, %get3A_50 in 1 : vector<1000x32xf32>, vector<1000x32xf32> -> vector<1000x64xf32>
    %get3A_52 = arith.constant 3 : index
    %get3A_53 = memref.load %arg1[%get3A_52] : memref<6xf32, #tpu.memory_space<smem>>
    %mul3A_54 = vector.broadcast %get3A_53 : f32 to vector<1000x64xf32>
    %mul3A_55 = arith.mulf %mul3A_54, %concatenate3A_51 : vector<1000x64xf32>
    %add3A_56 = arith.addf %add3A_38, %mul3A_55 : vector<1000x64xf32>
    %get3A_57 = arith.constant 0 : index
    %get3A_58 = arith.constant 3 : index
    %get3A_59 = arith.constant 0 : index
    %get3A_60 = arith.constant 0 : index
    %get3A_61 = vector.load %arg3[%get3A_57, %get3A_58, %get3A_59, %get3A_60] : memref<2x5x1000x32xf32, #tpu.memory_space<vmem>>, vector<1x1x1000x32xf32>
    %get3A_62 = vector.shape_cast %get3A_61 : vector<1x1x1000x32xf32> to vector<1000x32xf32>
    %get3A_63 = arith.constant 1 : index
    %get3A_64 = arith.constant 3 : index
    %get3A_65 = arith.constant 0 : index
    %get3A_66 = arith.constant 0 : index
    %get3A_67 = vector.load %arg3[%get3A_63, %get3A_64, %get3A_65, %get3A_66] : memref<2x5x1000x32xf32, #tpu.memory_space<vmem>>, vector<1x1x1000x32xf32>
    %get3A_68 = vector.shape_cast %get3A_67 : vector<1x1x1000x32xf32> to vector<1000x32xf32>
    %concatenate3A_69 = tpu.concatenate %get3A_62, %get3A_68 in 1 : vector<1000x32xf32>, vector<1000x32xf32> -> vector<1000x64xf32>
    %get3A_70 = arith.constant 4 : index
    %get3A_71 = memref.load %arg1[%get3A_70] : memref<6xf32, #tpu.memory_space<smem>>
    %mul3A_72 = vector.broadcast %get3A_71 : f32 to vector<1000x64xf32>
    %mul3A_73 = arith.mulf %mul3A_72, %concatenate3A_69 : vector<1000x64xf32>
    %add3A_74 = arith.addf %add3A_56, %mul3A_73 : vector<1000x64xf32>
    %get3A_75 = arith.constant 0 : index
    %get3A_76 = arith.constant 4 : index
    %get3A_77 = arith.constant 0 : index
    %get3A_78 = arith.constant 0 : index
    %get3A_79 = vector.load %arg3[%get3A_75, %get3A_76, %get3A_77, %get3A_78] : memref<2x5x1000x32xf32, #tpu.memory_space<vmem>>, vector<1x1x1000x32xf32>
    %get3A_80 = vector.shape_cast %get3A_79 : vector<1x1x1000x32xf32> to vector<1000x32xf32>
    %get3A_81 = arith.constant 1 : index
    %get3A_82 = arith.constant 4 : index
    %get3A_83 = arith.constant 0 : index
    %get3A_84 = arith.constant 0 : index
    %get3A_85 = vector.load %arg3[%get3A_81, %get3A_82, %get3A_83, %get3A_84] : memref<2x5x1000x32xf32, #tpu.memory_space<vmem>>, vector<1x1x1000x32xf32>
    %get3A_86 = vector.shape_cast %get3A_85 : vector<1x1x1000x32xf32> to vector<1000x32xf32>
    %concatenate3A_87 = tpu.concatenate %get3A_80, %get3A_86 in 1 : vector<1000x32xf32>, vector<1000x32xf32> -> vector<1000x64xf32>
    %get3A_88 = arith.constant 5 : index
    %get3A_89 = memref.load %arg1[%get3A_88] : memref<6xf32, #tpu.memory_space<smem>>
    %mul3A_90 = vector.broadcast %get3A_89 : f32 to vector<1000x64xf32>
    %mul3A_91 = arith.mulf %mul3A_90, %concatenate3A_87 : vector<1000x64xf32>
    %add3A_92 = arith.addf %add3A_74, %mul3A_91 : vector<1000x64xf32>
    %reduce_max3A = arith.constant dense<0xFF800000> : vector<1000xf32>
    %reduce_max3A_93 = vector.multi_reduction <maximumf>, %add3A_92, %reduce_max3A [1] : vector<1000x64xf32> to vector<1000xf32>
    %broadcast_in_dim3A = vector.shape_cast %reduce_max3A_93 : vector<1000xf32> to vector<1000x1xf32>
    %sub3A = vector.broadcast %broadcast_in_dim3A : vector<1000x1xf32> to vector<1000x64xf32>
    %sub3A_94 = arith.subf %add3A_92, %sub3A : vector<1000x64xf32>
    %exp3A = math.exp %sub3A_94 : vector<1000x64xf32>
    %reduce_sum3A = arith.constant dense<0.000000e+00> : vector<1000xf32>
    %reduce_sum3A_95 = vector.multi_reduction <add>, %exp3A, %reduce_sum3A [1] : vector<1000x64xf32> to vector<1000xf32>
    %broadcast_in_dim3A_96 = vector.shape_cast %reduce_sum3A_95 : vector<1000xf32> to vector<1000x1xf32>
    %log3A = math.log %broadcast_in_dim3A_96 : vector<1000x1xf32>
    %sub3A_97 = vector.broadcast %broadcast_in_dim3A : vector<1000x1xf32> to vector<1000x64xf32>
    %sub3A_98 = arith.subf %add3A_92, %sub3A_97 : vector<1000x64xf32>
    %sub3A_99 = vector.broadcast %log3A : vector<1000x1xf32> to vector<1000x64xf32>
    %sub3A_100 = arith.subf %sub3A_98, %sub3A_99 : vector<1000x64xf32>
    %swap3A = arith.constant 0 : index
    %swap3A_101 = arith.constant 0 : index
    %swap3A_102 = vector.load %arg4[%swap3A, %swap3A_101] : memref<1000x64xf32, #tpu.memory_space<vmem>>, vector<1000x64xf32>
    tpu.vector_store %arg4[%swap3A, %swap3A_101], %sub3A_100 {strides = array<i32>} : memref<1000x64xf32, #tpu.memory_space<vmem>>, vector<1000x64xf32>,
    return
  }
  func.func @transform_0(%arg0: i32) -> i32 {
    %c0_i32 = arith.constant 0 : i32
    %c0_i32_0 = arith.constant 0 : i32
    return %c0_i32 : i32
  }
  func.func @transform_1(%arg0: i32) -> (i32, i32) {
    %c0_i32 = arith.constant 0 : i32
    %c0_i32_0 = arith.constant 0 : i32
    return %arg0, %c0_i32 : i32, i32
  }
  func.func @transform_2(%arg0: i32) -> (i32, i32, i32, i32) {
    %c0_i32 = arith.constant 0 : i32
    %c0_i32_0 = arith.constant 0 : i32
    %c0_i32_1 = arith.constant 0 : i32
    %c0_i32_2 = arith.constant 0 : i32
    return %c0_i32, %c0_i32_0, %arg0, %c0_i32_1 : i32, i32, i32, i32
  }
  func.func @transform_3(%arg0: i32) -> (i32, i32) {
    %c0_i32 = arith.constant 0 : i32
    %c0_i32_0 = arith.constant 0 : i32
    return %arg0, %c0_i32 : i32, i32
  }
}

</mosaic_0001>

<sc_bundles>
// kernel: kernel.5.cloned.1.call-start
scs
__scs_entry_jumppad:
0x0: {  	(pc) =	sbr.rel $0x88, $3  }
0x1: {  	(tag) =	ssettag $0x0;
	lr =	simm.s32 $0x1  }
0x2: {  	[smem:$0x3F9A] =	sst lr;
	_ =	strace $0xD0000000  }
0x3: {  	_ = 	snop  }
0x4: {  	_ = 	snop  }
0x5: {  	_ = 	snop  }
0x6: {  	_ = 	snop  }
0x7: {  	_ = 	snop  }
__scs_overlays_trampoline_lowered:
0x8: {  	[smem:$0x3FA9] =	sst s0  }
0x9: {  	[smem:$0x3FAA] =	sst s1  }
0xa: {  	[smem:$0x3FAB] =	sst s2  }
0xb: {  	[smem:$0x3FAC] =	sst s3  }
0xc: {  	[smem:$0x3FAD] =	sst s4  }
0xd: {  	[smem:$0x3FAE] =	sst s5  }
0xe: {  	[smem:$0x3FAF] =	sst s6  }
0xf: {  	[smem:$0x3FB0] =	sst s7  }
0x10: {  	[smem:$0x3FB1] =	sst s8  }
0x11: {  	[smem:$0x3FB2] =	sst s9;
	s0 =	simm.s32 @!p0 $0x0  }
0x12: {  	s1 =	sld [smem:$0x3F98];
	s0 =	simm.s32 @p0 $0x1  }
0x13: {  	[smem:$0x3FB3] =	sst s0;
	s0 =	simm.s32 @!p1 $0x0  }
0x14: {  	s2 =	sld [smem:$0x3F97];
	s0 =	simm.s32 @p1 $0x1  }
0x15: {  	[smem:$0x3FB4] =	sst s0;
	s0 =	simm.s32 @!p2 $0x0  }
0x16: {  	s3 =	sld [smem:$0x3FDB];
	s0 =	simm.s32 @p2 $0x1  }
0x17: {  	s4 =	simm.s32 $0x1BF5;
	[smem:$0x3FB6] =	sst s0  }
0x18: {  	s0 =	sld [smem:$0x3F99];
	_ =	swait.ge [sflag:s4], $0x0  }
0x19: {  	s7 =	sld [smem:$0x3F9A]  }
0x1a: {  	s8 =	sadd.s32 $0xFFFFE003, lr  }
0x1b: {  	s9 =	sadd.s32 $0xFFFFFEF7, lr;
	s5 =	simm.s32 $0xFFFFFFFF;
	p2 =	slt.u32 s8, $0xFFFFF086  }
0x1c: {  	p1 =	slt.u32 s9, $0xF7A;
	s5 =	simm.s32 @!p2 $0x0  }
0x1d: {  	s5 =	simm.s32 @p1 $0x1;
	p0 =	seq.s32 s7, s2  }
0x1e: {  	s7 =	smul.u32 @!p0 $0xF7A, s2;
	p2 =	seq.s32 @!p0 s5, $0x0  }
0x1f: {  	s9 =	smul.u32 $0xF7A, s1;
	s8 =	simm.s32 @!p0 $0x1BF5;
	p2 =	por !p2, p0  }
0x20: {  	[sflag:s8] =	ssyncset.s32 @!p0 $0xFFFFF086;
	s6 =	sadd.s32 @!p0 s3, s7;
	s7 =	simm.s32 @!p0 $0x108  }
0x21: {  	s3 =	sadd.s32 s3, s9;
	s6 =	sadd.s32 @!p0 $0x88, s6;
	s7 =	simm.s32 @p2 $0x1082  }
0x22: {  	[simem:s7], [sflag:s8] =	dma.local @!p0 [hbm:s6], $0xF7A  }
0x23: {  	s9 =	sor.u32 $0xD0000000, s2;
	s6 =	simm.s32 $0x108;
	_ =	swait.ge @!p0 [sflag:s8], $0x0  }
0x24: {  	s3 =	sadd.s32 $0x88, s3;
	s6 =	simm.s32 @!p1 $0x1082;
	[sflag:s4] =	ssyncset.s32 $0xFFFFF086  }
0x25: {  	[simem:s6], [sflag:s4] =	dma.local [hbm:s3], $0xF7A  }
0x26: {  	[smem:$0x3F9A] =	sst s1;
	(tag) =	ssettag s2;
	_ =	strace s9  }
0x27: {  	s1 =	sld [smem:$0x3FAA]  }
0x28: {  	s2 =	sld [smem:$0x3FAB]  }
0x29: {  	s4 =	sld [smem:$0x3FAD]  }
0x2a: {  	p0 =	seq.s32 s5, $0x0;
	s5 =	sld [smem:$0x3FAE]  }
0x2b: {  	s6 =	sld [smem:$0x3FAF]  }
0x2c: {  	s7 =	sld [smem:$0x3FB0]  }
0x2d: {  	s3 =	simm.s32 $0x108;
	s8 =	sld [smem:$0x3FB1]  }
0x2e: {  	s3 =	simm.s32 @!p0 $0x1082;
	s9 =	sld [smem:$0x3FB2]  }
0x2f: {  	lr =	sadd.s32 s0, s3;
	s0 =	sld [smem:$0x3FA9]  }
0x30: {  	s3 =	sld [smem:$0x3FAC]  }
0x31: {  	[smem:$0x3FB5] =	sst s10  }
0x32: {  	s10 =	sld [smem:$0x3FB3];
	_ =	sdelay $0x3  }
0x33: {  	p0 =	seq.s32 s10, $0x1;
	s10 =	sld [smem:$0x3FB5];
	_ =	sdelay $0x3  }
0x34: {  	[smem:$0x3FB5] =	sst s10  }
0x35: {  	s10 =	sld [smem:$0x3FB4];
	_ =	sdelay $0x3  }
0x36: {  	p1 =	seq.s32 s10, $0x1;
	s10 =	sld [smem:$0x3FB5];
	_ =	sdelay $0x3  }
0x37: {  	[smem:$0x3FB5] =	sst s10  }
0x38: {  	s10 =	sld [smem:$0x3FB6]  }
0x39: {  	_ = 	snop;
	(pc) =	sbr.ind lr, $3  }
0x3a: {  	_ = 	snop  }
0x3b: {  	_ = 	snop  }
0x3c: {  	p2 =	seq.s32 s10, $0x1;
	s10 =	sld [smem:$0x3FB5]  }
0x3d: {  	_ =	shalt  }
0x3e: {  	_ =	shalt  }
0x3f: {  	_ =	shalt  }
0x40: {  	_ =	shalt  }
0x41: {  	_ =	shalt  }
0x42: {  	_ =	shalt  }
0x43: {  	_ =	shalt  }
0x44: {  	_ =	shalt  }
0x45: {  	_ =	shalt  }
0x46: {  	_ =	shalt  }
0x47: {  	_ =	shalt  }
0x48: {  	_ =	shalt  }
0x49: {  	_ =	shalt  }
0x4a: {  	_ =	shalt  }
0x4b: {  	_ =	shalt  }
0x4c: {  	_ =	shalt  }
0x4d: {  	_ =	shalt  }
0x4e: {  	_ =	shalt  }
0x4f: {  	_ =	shalt  }
0x50: {  	_ =	shalt  }
0x51: {  	_ =	shalt  }
0x52: {  	_ =	shalt  }
0x53: {  	_ =	shalt  }
0x54: {  	_ =	shalt  }
0x55: {  	_ =	shalt  }
0x56: {  	_ =	shalt  }
0x57: {  	_ =	shalt  }
0x58: {  	_ =	shalt  }
0x59: {  	_ =	shalt  }
0x5a: {  	_ =	shalt  }
0x5b: {  	_ =	shalt  }
0x5c: {  	_ =	shalt  }
0x5d: {  	_ =	shalt  }
0x5e: {  	_ =	shalt  }
0x5f: {  	_ =	shalt  }
0x60: {  	_ =	shalt  }
0x61: {  	_ =	shalt  }
0x62: {  	_ =	shalt  }
0x63: {  	_ =	shalt  }
0x64: {  	_ =	shalt  }
0x65: {  	_ =	shalt  }
0x66: {  	_ =	shalt  }
0x67: {  	_ =	shalt  }
0x68: {  	_ =	shalt  }
0x69: {  	_ =	shalt  }
0x6a: {  	_ =	shalt  }
0x6b: {  	_ =	shalt  }
0x6c: {  	_ =	shalt  }
0x6d: {  	_ =	shalt  }
0x6e: {  	_ =	shalt  }
0x6f: {  	_ =	shalt  }
0x70: {  	_ =	shalt  }
0x71: {  	_ =	shalt  }
0x72: {  	_ =	shalt  }
0x73: {  	_ =	shalt  }
0x74: {  	_ =	shalt  }
0x75: {  	_ =	shalt  }
0x76: {  	_ =	shalt  }
0x77: {  	_ =	shalt  }
0x78: {  	_ =	shalt  }
0x79: {  	_ =	shalt  }
0x7a: {  	_ =	shalt  }
0x7b: {  	_ =	shalt  }
0x7c: {  	_ =	shalt  }
0x7d: {  	_ =	shalt  }
0x7e: {  	_ =	shalt  }
0x7f: {  	_ =	shalt  }
0x80: {  	_ =	shalt  }
0x81: {  	_ =	shalt  }
0x82: {  	_ =	shalt  }
0x83: {  	_ =	shalt  }
0x84: {  	_ =	shalt  }
0x85: {  	_ =	shalt  }
0x86: {  	_ =	shalt  }
0x87: {  	_ =	shalt  }
.Lfunc_end0:
.L_simem_size_0:
called_computation_lowered:
.L_overlay_start_0:
0x88: {  	s2 =	sld [smem:$0x3FD9]  }
0x89: {  	s3 =	sld [smem:$0x3FFE];
	_ =	sdelay $0x1  }
0x8a: {  	s1 =	srdreg.scid  }
0x8b: {  	s0 =	sand.u32 $0x1, s1  }
0x8c: {  	s17 =	sshll.u32 s0, $0xA;
	s2 =	sadd.s32 s3, s2  }
0x8d: {  	s2 =	sadd.s32 s2, s17  }
0x8e: {  	[smem:$0x3FC1] =	sst s2  }
0x8f: {  	_ = 	snop  }
0x90: {  	s2 =	sld [smem:$0x3FD0];
	(tm) =	ssettm $0x1  }
0x91: {  	s18 =	sld [smem:$0x3FFB];
	_ =	sdelay $0x3  }
0x92: {  	_ =	strace s18  }
0x93: {  	s3 =	sld [smem:$0x3FFC];
	_ =	sdelay $0x3  }
0x94: {  	_ =	strace s3  }
0x95: {  	s3 =	sld [smem:$0x3FFD];
	_ =	sdelay $0x3  }
0x96: {  	_ =	strace s3  }
0x97: {  	_ =	strace $0x8FFFFFFF  }
0x98: {  	s19 =	sld [smem:$0x3FDB];
	_ =	sdelay $0x1  }
0x99: {  	s4 =	simm.s32 $_scs_section_size  }
0x9a: {  	s5 =	simm.s32 $_size__tile_overlayer_lowered;
	s6 =	simm.s32 $_tile_overlayer_lowered  }
0x9b: {  	s22 =	simm.s32 $0x1BFF;
	s21 =	sshll.u32 s6, $0x1;
	s3 =	sadd.s32 s4, s19  }
0x9c: {  	s7 =	simm.s32 $0x0;
	s20 =	sshll.u32 s5, $0x1;
	s5 =	sadd.s32 s21, s3  }
0x9d: {  	[timem:s7], [sflag:s22] =	dma.local [hbm:s5], s20  }
0x9e: {  	_ =	swait.ge [sflag:s22], s20  }
0x9f: {  	s4 =	ssub.s32 $0x0, s20;
	[sflag:s22] =	ssyncset.done $0x0  }
0xa0: {  	[sflag:s22] =	ssyncadd.s32 s4;
	_ =	sdelay $0x1  }
0xa1: {  	s23 =	simm.s32 $0x1B8B  }
0xa2: {  	_ =	swait.ge [sflag:s23], $0x1  }
0xa3: {  	[sflag:s23] =	ssyncset.done $0x0  }
0xa4: {  	s25 =	simm.s32 $0x1B8E;
	s24 =	sld [smem:$0x3FFE];
	[sflag:s23] =	ssyncadd.s32 $0xFFFFFFFF  }
0xa5: {  	s26 =	simm.s32 $execute0_lowered;
	[smem:$0x3FD2] =	sst s25  }
0xa6: {  	s5 =	sshll.u32 s26, $0x1;
	_ =	strace $0x80000046;
	[dreg:$0x1] =	wrdreg $0xFFFFFFFF  }
0xa7: {  	s28 =	simm.s32 $_size_execute0_lowered;
	s3 =	sadd.s32 s3, s5;
	[dreg:$0x0] =	wrdreg $0x0  }
0xa8: {  	s5 =	sshll.u32 s28, $0x1;
	[dreg:$0x2] =	wrdreg s3  }
0xa9: {  	[dreg:$0x3] =	wrdreg s5  }
0xaa: {  	[dreg:$0x4] =	wrdreg $0xC0  }
0xab: {  	_ =	task [dreg:s7], $0x5FFFF  }
0xac: {  	[dreg:$0x1] =	wrdreg $0xFFFFFFFF  }
0xad: {  	[dreg:$0x0] =	wrdreg $0x60  }
0xae: {  	[dreg:$0x2] =	wrdreg s24  }
0xaf: {  	[dreg:$0x3] =	wrdreg s2  }
0xb0: {  	[dreg:$0x4] =	wrdreg $0x158000  }
0xb1: {  	[dreg:$0x5] =	wrdreg $0x1A8000  }
0xb2: {  	[dreg:$0x6] =	wrdreg $0x9  }
0xb3: {  	_ =	task.clear_ibuf [dreg:s7], $0x7FFFF;
	_ =	strace $0x90000046  }
0xb4: {  	s29 =	simm.s32 $0x9;
	_ =	strace $0x80000048  }
0xb5: {  	_ =	swait.ge [sflag:s29], $0x1  }
0xb6: {  	[sflag:s29] =	ssyncadd.s32 $0xFFFFFFFF  }
0xb7: {  	_ =	strace $0x90000048  }
0xb8: {  	_ =	sfence  }
0xb9: {  	s30 =	sld [smem:$0x0];
	_ =	sdelay $0x2  }
0xba: {  	s31 =	sshll.u32 s1, $0xD;
	s1 =	sshrl.u32 s1, $0x2  }
0xbb: {  	s3 =	sand.u32 $0x4000, s31;
	s1 =	sadd.s32 s1, s30  }
0xbc: {  	s0 =	sor.u32 s3, s0;
	s1 =	sshll.u32 s1, $0x11  }
0xbd: {  	s0 =	sor.u32 s1, s0  }
0xbe: {  	s0 =	sadd.s32 $0x8F2B, s0  }
0xbf: {  	[sflag:s0] =	ssyncadd.remote.s32 $0x1  }
0xc0: {  	_ =	sfence.sel $0xFFFF  }
0xc1: {  	[dreg:$0x0] =	wrdreg $0xFFFFFFFF;
	(pc) =	sbr.abs _section_cstart, $3  }
0xc2: {  	[dreg:$0x1] =	wrdreg $0xFFFFFFFF  }
0xc3: {  	_ =	task.clear_ibuf [dreg:s7], $0x2FFFF;
	_ =	strace $0x9FFFFFFF  }
0xc4: {  	(tm) =	ssettm $0x7FFFFFFF  }
0xc5: {  	_ =	shalt  }
tec
execute0_lowered:
.L_overlay_start_1:
0x0: {  	(tag) =	ssettag $0x1  }
0x1: {  	s5 =	rddreg [dreg:$0x0]  }
0x2: {  	s6 =	rddreg [dreg:$0x1]  }
0x3: {  	s1 =	srdreg.scid;
	s2 =	rddreg [dreg:$0x2]  }
0x4: {  	s0 =	stileid.u32;
	s3 =	rddreg [dreg:$0x3]  }
0x5: {  	s4 =	simm.s32 $0x0;
	s16 =	simm.s32 $0xE000;
	s17 =	simm.s32 $0x100  }
0x6: {  	s18 =	simm.s32 $0xA000;
	s19 =	simm.s32 $0x5100;
	s20 =	simm.s32 $0x3  }
0x7: {  	s21 =	simm.s32 $0x4;
	s22 =	simm.s32 $0xC000;
	s23 =	simm.s32 $0x1  }
0x8: {  	s24 =	simm.s32 $0x2;
	s25 =	simm.s32 $0x0;
	s11 =	smul.u32 $0x5000, s0  }
0x9: {  	s7 =	sand.u32 $0x1, s1;
	[smem:$0x7FF] =	sst s4;
	s9 =	smul.u32 $0xA00, s0  }
0xa: {  	s1 =	rddreg [dreg:$0x4];
	s8 =	smul.u32 $0x50000, s7;
	_ =	strace $0x80000047  }
0xb: {  	s10 =	ssub.s32 $0x2, s7;
	s15 =	smul.u32 $0x190000, s7;
	s13 =	sadd.s32 s9, s5  }
0xc: {  	s30 =	sshrl.u32 s10, $0x1;
	s6 =	sadd.s32 s6, s9;
	s8 =	sadd.s32 s11, s8  }
.Ltmp0:
0xd: {  	s14 =	ssub.s32 s10, s30;
	s7 =	sadd.s32 $0xE00, s13;
	(pc) =	sbr.rel .LBB2_1-.Ltmp0, $4  }
0xe: {  	s9 =	sadd.s32 $0xAE00, s13;
	s31 =	sadd.s32 s15, s11;
	s15 =	simm.s32 $0x5000  }
0xf: {  	s8 =	sshrl.u32 s8, $0x3;
	s13 =	smax.u32 s14, $0x1;
	s14 =	simm.s32 $0x5  }
0x10: {  	s12 =	sadd.s32 s8, s5;
	s5 =	sadd.s32 $0x28E00, s5;
	s8 =	sadd.s32 s11, s2  }
0x11: {  	v0 =	vimm.f32 $0.0e+00;
	v1 =	vimm.f32 $1.000000000e+00;
	s11 =	sadd.s32 s11, s3;
	s10 =	sadd.s32 $0x14E00, s12;
	s12 =	sadd.s32 $0xFFFB0000, s31  }
.LBB2_24:
0x12: {  	s25 =	sadd.s32 $0x1, s25  }
0x13: {  	p0 =	sne.s32 s25, s13  }
.Ltmp1:
0x14: {  	_ = 	snop;
	(pc) =	sbr.rel @!p0 .LBB2_25-.Ltmp1, $2  }
0x15: {  	_ =	sdelay $0x1  }
0x16: {  	[bflag:$0x0] =	sbarrier.arrive $0xFFFF;
	_ =	sdelay $0x1  }
.LBB2_1:
0x17: {  	[tilespmem:s4], [sflag:$0x5] =	stream.linear.gather [hbm4b:s6+s4], $0x5000, $0x38;
	[tilespmem:$0x1F800] =	vst v63  }
0x18: {  	_ =	swait.ge [sflag:s14], $0x5000  }
0x19: {  	[sflag:s14] =	ssyncset.done $0x0  }
0x1a: {  	[sflag:s14] =	ssyncadd.s32 $0xFFFFB000  }
0x1b: {  	[tilespmem:s15], [sflag:$0x5] =	stream.linear.gather [hbm4b:s7+s4], $0x5000, $0x38;
	[tilespmem:$0x1F800] =	vst v63  }
0x1c: {  	_ =	swait.ge [sflag:s14], $0x5000  }
0x1d: {  	[sflag:s14] =	ssyncset.done $0x0  }
0x1e: {  	s26 =	simm.s32 $0x80;
	s28 =	simm.s32 $0x0;
	[sflag:s14] =	ssyncadd.s32 $0xFFFFB000  }
.LBB2_2:
0x1f: {  	p0 =	sne.s32 s26, $0x13F80;
	[tilespmem:s28+$0xE000] =	vst v0;
	s29 =	smov.u32 s26;
	s26 =	sadd.s32 $0x80, s26  }
.Ltmp2:
0x20: {  	[tilespmem:s28+$0xE010] =	vst v0;
	(pc) =	sbr.rel @p0 .LBB2_2-.Ltmp2, $2  }
0x21: {  	_ =	sdelay $0x2  }
0x22: {  	s28 =	sshra.s32 s29, $0x2  }
0x23: {  	[tilespmem:s28+$0xE000] =	vst v0  }
0x24: {  	[tilespmem:s28+$0xE010] =	vst v0  }
0x25: {  	[spmem:s8] =	stream.linear.scatter [tilespmem:s16], [sflag:$0x5], $0x5000, $0x38;
	[tilespmem:$0x1F800] =	vst v63  }
0x26: {  	_ =	swait.ge [sflag:s14], $0x5000  }
0x27: {  	[sflag:s14] =	ssyncset.done $0x0  }
0x28: {  	s26 =	simm.s32 $0x80;
	s28 =	simm.s32 $0x0;
	[sflag:s14] =	ssyncadd.s32 $0xFFFFB000  }
.LBB2_4:
0x29: {  	p0 =	sne.s32 s26, $0x7F80;
	[tilespmem:s28+$0xA000] =	vst v1;
	s29 =	smov.u32 s26;
	s26 =	sadd.s32 $0x80, s26  }
.Ltmp3:
0x2a: {  	[tilespmem:s28+$0xA010] =	vst v1;
	(pc) =	sbr.rel @p0 .LBB2_4-.Ltmp3, $2  }
0x2b: {  	_ =	sdelay $0x2  }
0x2c: {  	s28 =	sshra.s32 s29, $0x2  }
0x2d: {  	[tilespmem:s28+$0xA000] =	vst v1  }
0x2e: {  	[tilespmem:s28+$0xA010] =	vst v1  }
0x2f: {  	[bflag:$0x0] =	sbarrier.arrive $0xFFFF  }
0x30: {  	[spmem:s2] =	stream.indirect.scatter.add.f32 [tilespmem:s18], [sflag:$0x3], $0x20, s15, s17, $0xb8;
	[tilespmem:$0x1F800] =	vst v63  }
0x31: {  	_ = 	snop  }
0x32: {  	[spmem:s2] =	stream.indirect.scatter.add.f32 [tilespmem:s18], [sflag:$0x4], $0x20, s19, s17, $0xb8;
	[tilespmem:$0x1F800] =	vst v63  }
0x33: {  	_ =	swait.ge [sflag:s20], $0x2000  }
0x34: {  	[sflag:s20] =	ssyncset.done $0x0  }
0x35: {  	[sflag:s20] =	ssyncadd.s32 $0xFFFFE000  }
0x36: {  	_ =	swait.ge [sflag:s21], $0x2000  }
0x37: {  	[sflag:s21] =	ssyncset.done $0x0  }
0x38: {  	s26 =	simm.s32 $0x5200;
	[sflag:s21] =	ssyncadd.s32 $0xFFFFE000  }
0x39: {  	[spmem:s2] =	stream.indirect.scatter.add.f32 [tilespmem:s18], [sflag:$0x3], $0x20, s26, s17, $0xb8;
	[tilespmem:$0x1F800] =	vst v63  }
0x3a: {  	s28 =	simm.s32 $0x5300;
	s26 =	simm.s32 $0xFFFED000  }
.LBB2_6:
0x3b: {  	[spmem:s2] =	stream.indirect.scatter.add.f32 [tilespmem:s18], [sflag:$0x4], $0x20, s28, s17, $0xb8;
	[tilespmem:$0x1F800] =	vst v63  }
0x3c: {  	s28 =	smov.u32 s26  }
0x3d: {  	p0 =	sne.s32 s26, $0xFFFFF800;
	s26 =	sadd.s32 $0x800, s26;
	_ =	swait.ge [sflag:s20], $0x2000  }
0x3e: {  	[sflag:s20] =	ssyncset.done $0x0  }
0x3f: {  	[sflag:s20] =	ssyncadd.s32 $0xFFFFE000  }
.Ltmp4:
0x40: {  	_ =	swait.ge [sflag:s21], $0x2000;
	(pc) =	sbr.rel @p0 .LBB2_6-.Ltmp4, $4  }
0x41: {  	s28 =	sshra.s32 s28, $0x2;
	[sflag:s21] =	ssyncset.done $0x0  }
0x42: {  	s29 =	sadd.s32 $0xA000, s28;
	[sflag:s21] =	ssyncadd.s32 $0xFFFFE000  }
0x43: {  	[spmem:s2] =	stream.indirect.scatter.add.f32 [tilespmem:s18], [sflag:$0x3], $0x20, s29, s17, $0xb8;
	[tilespmem:$0x1F800] =	vst v63  }
0x44: {  	s28 =	sadd.s32 $0xA100, s28  }
0x45: {  	[spmem:s2] =	stream.indirect.scatter.add.f32 [tilespmem:s18], [sflag:$0x4], $0x20, s28, s17, $0xb8;
	[tilespmem:$0x1F800] =	vst v63  }
0x46: {  	_ =	swait.ge [sflag:s20], $0x2000  }
0x47: {  	[sflag:s20] =	ssyncset.done $0x0  }
0x48: {  	[sflag:s20] =	ssyncadd.s32 $0xFFFFE000  }
0x49: {  	_ =	swait.ge [sflag:s21], $0x2000  }
0x4a: {  	[sflag:s21] =	ssyncset.done $0x0  }
0x4b: {  	[sflag:s21] =	ssyncadd.s32 $0xFFFFE000  }
0x4c: {  	s26 =	simm.s32 $0x0;
	[bflag:$0x0] =	sbarrier.arrive $0xFFFF  }
0x4d: {  	[tilespmem:s15], [sflag:$0x5] =	stream.linear.gather [hbm4b:s9+s26], $0x5000, $0x38;
	[tilespmem:$0x1F800] =	vst v63  }
0x4e: {  	_ =	swait.ge [sflag:s14], $0x5000  }
0x4f: {  	[sflag:s14] =	ssyncset.done $0x0  }
0x50: {  	s28 =	simm.s32 $0xE000;
	[sflag:s14] =	ssyncadd.s32 $0xFFFFB000  }
0x51: {  	[tilespmem:s28], [sflag:$0x5] =	stream.linear.gather [spmem:s8], $0x5000, $0x38;
	[tilespmem:$0x1F800] =	vst v63  }
0x52: {  	_ =	swait.ge [sflag:s14], $0x5000  }
0x53: {  	[sflag:s14] =	ssyncset.done $0x0  }
0x54: {  	[sflag:s14] =	ssyncadd.s32 $0xFFFFB000  }
0x55: {  	s29 =	simm.s32 $0x40;
	v2 =	vld [tilespmem:s28+$0x0]  }
.LBB2_8:
0x56: {  	p0 =	sne.s32 s29, $0x9FC0;
	_ =	sdelay $0x3  }
0x57: {  	vm0 =	vgt.f32 v2, $0.0e+00  }
0x58: {  	v2 =	vnsel vm0, $0x3F800000, v2  }
0x59: {  	v3 =	vadd.f32 $1.000000000e+00, v2;
	_ =	sdelay $0x1  }
0x5a: {  	v3 =	vmul.f32 $5.000000000e-01, v3;
	_ =	sdelay $0x1  }
0x5b: {  	(erf) = vrcp.f32 v3;
	_ =	sdelay $0x8  }
0x5c: {  	v4 =	vpop (erf)  }
0x5d: {  	v4 =	vmul.f32 v4, v2;
	_ =	sdelay $0x1  }
0x5e: {  	v3 =	vadd.f32 v4, v3;
	_ =	sdelay $0x1  }
0x5f: {  	v3 =	vmul.f32 $5.000000000e-01, v3;
	_ =	sdelay $0x1  }
0x60: {  	(erf) = vrcp.f32 v3;
	_ =	sdelay $0x8  }
0x61: {  	v4 =	vpop (erf)  }
0x62: {  	v4 =	vmul.f32 v4, v2;
	_ =	sdelay $0x1  }
0x63: {  	v3 =	vadd.f32 v4, v3;
	_ =	sdelay $0x1  }
0x64: {  	v3 =	vmul.f32 $5.000000000e-01, v3;
	_ =	sdelay $0x1  }
0x65: {  	(erf) = vrcp.f32 v3;
	_ =	sdelay $0x8  }
0x66: {  	v4 =	vpop (erf)  }
0x67: {  	v4 =	vmul.f32 v4, v2;
	_ =	sdelay $0x1  }
0x68: {  	v3 =	vadd.f32 v4, v3;
	_ =	sdelay $0x1  }
0x69: {  	v3 =	vmul.f32 $5.000000000e-01, v3;
	_ =	sdelay $0x1  }
0x6a: {  	(erf) = vrcp.f32 v3;
	_ =	sdelay $0x8  }
0x6b: {  	v4 =	vpop (erf)  }
0x6c: {  	v4 =	vmul.f32 v4, v2;
	_ =	sdelay $0x1  }
0x6d: {  	v3 =	vadd.f32 v4, v3;
	_ =	sdelay $0x1  }
0x6e: {  	v3 =	vmul.f32 $5.000000000e-01, v3;
	_ =	sdelay $0x1  }
0x6f: {  	(erf) = vrcp.f32 v3;
	_ =	sdelay $0x8  }
0x70: {  	v4 =	vpop (erf)  }
0x71: {  	v4 =	vmul.f32 v4, v2;
	_ =	sdelay $0x1  }
0x72: {  	v3 =	vadd.f32 v4, v3;
	_ =	sdelay $0x1  }
0x73: {  	v3 =	vmul.f32 $5.000000000e-01, v3;
	_ =	sdelay $0x1  }
0x74: {  	(erf) = vrcp.f32 v3;
	_ =	sdelay $0x8  }
0x75: {  	v4 =	vpop (erf)  }
0x76: {  	v4 =	vmul.f32 v4, v2;
	_ =	sdelay $0x1  }
0x77: {  	v3 =	vadd.f32 v4, v3;
	_ =	sdelay $0x1  }
0x78: {  	v3 =	vmul.f32 $5.000000000e-01, v3;
	_ =	sdelay $0x1  }
0x79: {  	(erf) = vrcp.f32 v3;
	_ =	sdelay $0x8  }
0x7a: {  	v4 =	vpop (erf)  }
0x7b: {  	v4 =	vmul.f32 v4, v2;
	_ =	sdelay $0x1  }
0x7c: {  	v3 =	vadd.f32 v4, v3;
	_ =	sdelay $0x1  }
0x7d: {  	v3 =	vmul.f32 $5.000000000e-01, v3;
	_ =	sdelay $0x1  }
0x7e: {  	(erf) = vrcp.f32 v3;
	_ =	sdelay $0x8  }
0x7f: {  	v4 =	vpop (erf)  }
0x80: {  	v4 =	vmul.f32 v4, v2;
	_ =	sdelay $0x1  }
0x81: {  	v3 =	vadd.f32 v4, v3;
	_ =	sdelay $0x1  }
0x82: {  	v3 =	vmul.f32 $5.000000000e-01, v3;
	_ =	sdelay $0x1  }
0x83: {  	(erf) = vrcp.f32 v3;
	_ =	sdelay $0x8  }
0x84: {  	v4 =	vpop (erf)  }
0x85: {  	v4 =	vmul.f32 v4, v2;
	_ =	sdelay $0x1  }
0x86: {  	v3 =	vadd.f32 v4, v3;
	_ =	sdelay $0x1  }
0x87: {  	v3 =	vmul.f32 $5.000000000e-01, v3;
	_ =	sdelay $0x1  }
0x88: {  	(erf) = vrcp.f32 v3;
	_ =	sdelay $0x8  }
0x89: {  	v4 =	vpop (erf)  }
0x8a: {  	v4 =	vmul.f32 v4, v2;
	_ =	sdelay $0x1  }
0x8b: {  	v3 =	vadd.f32 v4, v3;
	_ =	sdelay $0x1  }
0x8c: {  	v3 =	vmul.f32 $5.000000000e-01, v3;
	_ =	sdelay $0x1  }
0x8d: {  	(erf) = vrcp.f32 v3;
	_ =	sdelay $0x8  }
0x8e: {  	v4 =	vpop (erf)  }
0x8f: {  	v4 =	vmul.f32 v4, v2;
	_ =	sdelay $0x1  }
0x90: {  	v3 =	vadd.f32 v4, v3;
	_ =	sdelay $0x1  }
0x91: {  	v3 =	vmul.f32 $5.000000000e-01, v3;
	_ =	sdelay $0x1  }
0x92: {  	(erf) = vrcp.f32 v3;
	_ =	sdelay $0x8  }
0x93: {  	v4 =	vpop (erf)  }
0x94: {  	v2 =	vmul.f32 v4, v2;
	_ =	sdelay $0x1  }
0x95: {  	v2 =	vadd.f32 v2, v3;
	_ =	sdelay $0x1  }
0x96: {  	v2 =	vmul.f32 $5.000000000e-01, v2;
	_ =	sdelay $0x1  }
0x97: {  	(erf) = vrcp.f32 v2;
	_ =	sdelay $0x7  }
.Ltmp5:
0x98: {  	(pc) =	sbr.rel @p0 .LBB2_8-.Ltmp5, $4  }
0x99: {  	v2 =	vpop (erf)  }
0x9a: {  	s30 =	sshra.s32 s26, $0x2;
	s26 =	smov.u32 s29;
	v2 =	vnsel vm0, $0x0, v2  }
0x9b: {  	s28 =	sadd.s32 $0x20, s28;
	[tilespmem:s30+$0x13000] =	vst v2  }
0x9c: {  	s29 =	sadd.s32 $0x40, s29;
	v2 =	vld [tilespmem:s28+$0x0]  }
0x9d: {  	_ =	sdelay $0x3  }
0x9e: {  	vm0 =	vgt.f32 v2, $0.0e+00  }
0x9f: {  	v2 =	vnsel vm0, $0x3F800000, v2  }
0xa0: {  	v3 =	vadd.f32 $1.000000000e+00, v2;
	_ =	sdelay $0x1  }
0xa1: {  	v3 =	vmul.f32 $5.000000000e-01, v3;
	_ =	sdelay $0x1  }
0xa2: {  	(erf) = vrcp.f32 v3;
	_ =	sdelay $0x8  }
0xa3: {  	v4 =	vpop (erf)  }
0xa4: {  	v4 =	vmul.f32 v4, v2;
	_ =	sdelay $0x1  }
0xa5: {  	v3 =	vadd.f32 v4, v3;
	_ =	sdelay $0x1  }
0xa6: {  	v3 =	vmul.f32 $5.000000000e-01, v3;
	_ =	sdelay $0x1  }
0xa7: {  	(erf) = vrcp.f32 v3;
	_ =	sdelay $0x8  }
0xa8: {  	v53 =	vpop (erf)  }
0xa9: {  	v4 =	vmul.f32 v53, v2;
	_ =	sdelay $0x1  }
0xaa: {  	v3 =	vadd.f32 v4, v3;
	_ =	sdelay $0x1  }
0xab: {  	v3 =	vmul.f32 $5.000000000e-01, v3;
	_ =	sdelay $0x1  }
0xac: {  	(erf) = vrcp.f32 v3;
	_ =	sdelay $0x8  }
0xad: {  	v54 =	vpop (erf)  }
0xae: {  	v4 =	vmul.f32 v54, v2;
	_ =	sdelay $0x1  }
0xaf: {  	v3 =	vadd.f32 v4, v3;
	_ =	sdelay $0x1  }
0xb0: {  	v3 =	vmul.f32 $5.000000000e-01, v3;
	_ =	sdelay $0x1  }
0xb1: {  	(erf) = vrcp.f32 v3;
	_ =	sdelay $0x8  }
0xb2: {  	v55 =	vpop (erf)  }
0xb3: {  	v4 =	vmul.f32 v55, v2;
	_ =	sdelay $0x1  }
0xb4: {  	v3 =	vadd.f32 v4, v3;
	_ =	sdelay $0x1  }
0xb5: {  	v3 =	vmul.f32 $5.000000000e-01, v3;
	_ =	sdelay $0x1  }
0xb6: {  	(erf) = vrcp.f32 v3;
	_ =	sdelay $0x8  }
0xb7: {  	v56 =	vpop (erf)  }
0xb8: {  	v4 =	vmul.f32 v56, v2;
	_ =	sdelay $0x1  }
0xb9: {  	v3 =	vadd.f32 v4, v3;
	_ =	sdelay $0x1  }
0xba: {  	v3 =	vmul.f32 $5.000000000e-01, v3;
	_ =	sdelay $0x1  }
0xbb: {  	(erf) = vrcp.f32 v3;
	_ =	sdelay $0x8  }
0xbc: {  	v57 =	vpop (erf)  }
0xbd: {  	v4 =	vmul.f32 v57, v2;
	_ =	sdelay $0x1  }
0xbe: {  	v3 =	vadd.f32 v4, v3;
	_ =	sdelay $0x1  }
0xbf: {  	v3 =	vmul.f32 $5.000000000e-01, v3;
	_ =	sdelay $0x1  }
0xc0: {  	(erf) = vrcp.f32 v3;
	_ =	sdelay $0x8  }
0xc1: {  	v58 =	vpop (erf)  }
0xc2: {  	v4 =	vmul.f32 v58, v2;
	_ =	sdelay $0x1  }
0xc3: {  	v3 =	vadd.f32 v4, v3;
	_ =	sdelay $0x1  }
0xc4: {  	v3 =	vmul.f32 $5.000000000e-01, v3;
	_ =	sdelay $0x1  }
0xc5: {  	(erf) = vrcp.f32 v3;
	_ =	sdelay $0x8  }
0xc6: {  	v59 =	vpop (erf)  }
0xc7: {  	v4 =	vmul.f32 v59, v2;
	_ =	sdelay $0x1  }
0xc8: {  	v3 =	vadd.f32 v4, v3;
	_ =	sdelay $0x1  }
0xc9: {  	v3 =	vmul.f32 $5.000000000e-01, v3;
	_ =	sdelay $0x1  }
0xca: {  	(erf) = vrcp.f32 v3;
	_ =	sdelay $0x8  }
0xcb: {  	v60 =	vpop (erf)  }
0xcc: {  	v4 =	vmul.f32 v60, v2;
	_ =	sdelay $0x1  }
0xcd: {  	v3 =	vadd.f32 v4, v3;
	_ =	sdelay $0x1  }
0xce: {  	v3 =	vmul.f32 $5.000000000e-01, v3;
	_ =	sdelay $0x1  }
0xcf: {  	(erf) = vrcp.f32 v3;
	_ =	sdelay $0x8  }
0xd0: {  	v61 =	vpop (erf)  }
0xd1: {  	v4 =	vmul.f32 v61, v2;
	_ =	sdelay $0x1  }
0xd2: {  	v3 =	vadd.f32 v4, v3;
	_ =	sdelay $0x1  }
0xd3: {  	v3 =	vmul.f32 $5.000000000e-01, v3;
	_ =	sdelay $0x1  }
0xd4: {  	(erf) = vrcp.f32 v3;
	_ =	sdelay $0x8  }
0xd5: {  	v62 =	vpop (erf)  }
0xd6: {  	v4 =	vmul.f32 v62, v2;
	_ =	sdelay $0x1  }
0xd7: {  	v3 =	vadd.f32 v4, v3;
	_ =	sdelay $0x1  }
0xd8: {  	v3 =	vmul.f32 $5.000000000e-01, v3;
	_ =	sdelay $0x1  }
0xd9: {  	(erf) = vrcp.f32 v3;
	_ =	sdelay $0x8  }
0xda: {  	v63 =	vpop (erf)  }
0xdb: {  	v2 =	vmul.f32 v63, v2;
	_ =	sdelay $0x1  }
0xdc: {  	v2 =	vadd.f32 v2, v3;
	_ =	sdelay $0x1  }
0xdd: {  	v2 =	vmul.f32 $5.000000000e-01, v2;
	_ =	sdelay $0x1  }
0xde: {  	(erf) = vrcp.f32 v2;
	_ =	sdelay $0x8  }
0xdf: {  	v2 =	vpop (erf)  }
0xe0: {  	s26 =	sshra.s32 s26, $0x2;
	v2 =	vnsel vm0, $0x0, v2  }
0xe1: {  	s28 =	simm.s32 $0x0;
	[tilespmem:s26+$0x13000] =	vst v2;
	s26 =	simm.s32 $0x80  }
.LBB2_10:
0xe2: {  	p0 =	sne.s32 s26, $0x13F80;
	[tilespmem:s28+$0xE000] =	vst v0;
	s29 =	smov.u32 s26;
	s26 =	sadd.s32 $0x80, s26  }
.Ltmp6:
0xe3: {  	[tilespmem:s28+$0xE010] =	vst v0;
	(pc) =	sbr.rel @p0 .LBB2_10-.Ltmp6, $2  }
0xe4: {  	_ =	sdelay $0x2  }
0xe5: {  	s28 =	sshra.s32 s29, $0x2  }
0xe6: {  	[tilespmem:s28+$0xE000] =	vst v0  }
0xe7: {  	[tilespmem:s28+$0xE010] =	vst v0  }
0xe8: {  	[spmem:s8] =	stream.linear.scatter [tilespmem:s16], [sflag:$0x5], $0x5000, $0x38;
	[tilespmem:$0x1F800] =	vst v63  }
0xe9: {  	_ =	swait.ge [sflag:s14], $0x5000  }
0xea: {  	[sflag:s14] =	ssyncset.done $0x0  }
0xeb: {  	s26 =	simm.s32 $0x0;
	[sflag:s14] =	ssyncadd.s32 $0xFFFFB000  }
0xec: {  	[tilespmem:s16], [sflag:$0x5] =	stream.linear.gather [hbm4b:s10+s26], $0x5000, $0x38;
	[tilespmem:$0x1F800] =	vst v63  }
0xed: {  	_ =	swait.ge [sflag:s14], $0x5000  }
0xee: {  	[sflag:s14] =	ssyncset.done $0x0  }
0xef: {  	s26 =	simm.s32 $0xE010;
	[sflag:s14] =	ssyncadd.s32 $0xFFFFB000  }
0xf0: {  	s28 =	simm.s32 $0x0;
	v2 =	vld [tilespmem:s26+$0xFFFFFFF0]  }
0xf1: {  	v4 =	vld [tilespmem:s28+$0x13000]  }
0xf2: {  	v5 =	vld [tilespmem:s26+$0x0];
	_ =	sdelay $0x4  }
0xf3: {  	s29 =	simm.s32 $0xE010;
	s28 =	simm.s32 $0x40;
	v3 =	vmul.f32 v2, v4;
	v2 =	vmul.f32 v5, v4  }
.LBB2_12:
0xf4: {  	p0 =	sne.s32 s28, $0x9FC0  }
0xf5: {  	[tilespmem:s26+$0xFFFFFFF0] =	vst v3;
	s29 =	sadd.s32 $0x20, s29;
	s30 =	smov.u32 s28;
	s28 =	sadd.s32 $0x40, s28  }
0xf6: {  	s30 =	sshra.s32 s30, $0x2;
	v3 =	vld [tilespmem:s29+$0xFFFFFFF0];
	[tilespmem:s26+$0x0] =	vst v2;
	s26 =	smov.u32 s29  }
0xf7: {  	v2 =	vld [tilespmem:s30+$0x13000]  }
0xf8: {  	v4 =	vld [tilespmem:s29+$0x0]  }
.Ltmp7:
0xf9: {  	(pc) =	sbr.rel @p0 .LBB2_12-.Ltmp7, $3  }
0xfa: {  	_ =	sdelay $0x1  }
0xfb: {  	v3 =	vmul.f32 v3, v2  }
0xfc: {  	v2 =	vmul.f32 v4, v2  }
0xfd: {  	[tilespmem:s26+$0xFFFFFFF0] =	vst v3  }
0xfe: {  	[tilespmem:s26+$0x0] =	vst v2  }
0xff: {  	[spmem:s11] =	stream.linear.scatter [tilespmem:s16], [sflag:$0x5], $0x5000, $0x38;
	[tilespmem:$0x1F800] =	vst v63  }
0x100: {  	_ =	swait.ge [sflag:s14], $0x5000  }
0x101: {  	[sflag:s14] =	ssyncset.done $0x0  }
0x102: {  	[sflag:s14] =	ssyncadd.s32 $0xFFFFB000  }
0x103: {  	s26 =	simm.s32 $0x1;
	[bflag:$0x0] =	sbarrier.arrive $0xFFFF  }
.LBB2_14:
0x104: {  	[tilespmem:s18], [sflag:$0x1] =	stream.indirect.gather [spmem:s3], $0x20, s4, s17, $0xb8;
	[tilespmem:$0x1F800] =	vst v63  }
0x105: {  	_ = 	snop  }
0x106: {  	[tilespmem:s22], [sflag:$0x2] =	stream.indirect.gather [spmem:s3], $0x20, s17, s17, $0xb8;
	[tilespmem:$0x1F800] =	vst v63  }
0x107: {  	_ =	swait.ge [sflag:s23], $0x2000  }
0x108: {  	[sflag:s23] =	ssyncset.done $0x0  }
0x109: {  	[sflag:s23] =	ssyncadd.s32 $0xFFFFE000  }
0x10a: {  	[spmem:s2] =	stream.indirect.scatter.add.f32 [tilespmem:s18], [sflag:$0x3], $0x20, s15, s17, $0xb8;
	[tilespmem:$0x1F800] =	vst v63  }
0x10b: {  	_ =	swait.ge [sflag:s24], $0x2000  }
0x10c: {  	[sflag:s24] =	ssyncset.done $0x0  }
0x10d: {  	[sflag:s24] =	ssyncadd.s32 $0xFFFFE000  }
0x10e: {  	[spmem:s2] =	stream.indirect.scatter.add.f32 [tilespmem:s22], [sflag:$0x4], $0x20, s19, s17, $0xb8;
	[tilespmem:$0x1F800] =	vst v63  }
0x10f: {  	_ =	swait.ge [sflag:s20], $0x2000  }
0x110: {  	[sflag:s20] =	ssyncset.done $0x0  }
0x111: {  	[sflag:s20] =	ssyncadd.s32 $0xFFFFE000  }
0x112: {  	_ =	swait.ge [sflag:s21], $0x2000  }
0x113: {  	[sflag:s21] =	ssyncset.done $0x0  }
0x114: {  	s28 =	simm.s32 $0x200;
	[sflag:s21] =	ssyncadd.s32 $0xFFFFE000  }
0x115: {  	[tilespmem:s18], [sflag:$0x1] =	stream.indirect.gather [spmem:s3], $0x20, s28, s17, $0xb8;
	[tilespmem:$0x1F800] =	vst v63  }
0x116: {  	s28 =	simm.s32 $0x300  }
0x117: {  	[tilespmem:s22], [sflag:$0x2] =	stream.indirect.gather [spmem:s3], $0x20, s28, s17, $0xb8;
	[tilespmem:$0x1F800] =	vst v63  }
0x118: {  	_ =	swait.ge [sflag:s23], $0x2000  }
0x119: {  	[sflag:s23] =	ssyncset.done $0x0  }
0x11a: {  	s28 =	simm.s32 $0x5200;
	[sflag:s23] =	ssyncadd.s32 $0xFFFFE000  }
0x11b: {  	[spmem:s2] =	stream.indirect.scatter.add.f32 [tilespmem:s18], [sflag:$0x3], $0x20, s28, s17, $0xb8;
	[tilespmem:$0x1F800] =	vst v63  }
0x11c: {  	_ =	swait.ge [sflag:s24], $0x2000  }
0x11d: {  	[sflag:s24] =	ssyncset.done $0x0  }
0x11e: {  	s29 =	simm.s32 $0x5300;
	s28 =	simm.s32 $0xFFFED000;
	[sflag:s24] =	ssyncadd.s32 $0xFFFFE000  }
.LBB2_15:
0x11f: {  	[spmem:s2] =	stream.indirect.scatter.add.f32 [tilespmem:s22], [sflag:$0x4], $0x20, s29, s17, $0xb8;
	[tilespmem:$0x1F800] =	vst v63  }
0x120: {  	s29 =	smov.u32 s28  }
0x121: {  	p0 =	sne.s32 s28, $0xFFFFF800;
	s28 =	sadd.s32 $0x800, s28;
	_ =	swait.ge [sflag:s20], $0x2000  }
0x122: {  	[sflag:s20] =	ssyncset.done $0x0  }
0x123: {  	[sflag:s20] =	ssyncadd.s32 $0xFFFFE000  }
0x124: {  	_ =	swait.ge [sflag:s21], $0x2000  }
0x125: {  	s29 =	sshra.s32 s29, $0x2;
	[sflag:s21] =	ssyncset.done $0x0  }
0x126: {  	s30 =	sadd.s32 $0x5000, s29;
	[sflag:s21] =	ssyncadd.s32 $0xFFFFE000  }
0x127: {  	[tilespmem:s18], [sflag:$0x1] =	stream.indirect.gather [spmem:s3], $0x20, s30, s17, $0xb8;
	[tilespmem:$0x1F800] =	vst v63  }
0x128: {  	s30 =	sadd.s32 $0x5100, s29  }
0x129: {  	[tilespmem:s22], [sflag:$0x2] =	stream.indirect.gather [spmem:s3], $0x20, s30, s17, $0xb8;
	[tilespmem:$0x1F800] =	vst v63  }
0x12a: {  	_ =	swait.ge [sflag:s23], $0x2000  }
0x12b: {  	[sflag:s23] =	ssyncset.done $0x0  }
.Ltmp8:
0x12c: {  	s30 =	sadd.s32 $0xA000, s29;
	[sflag:s23] =	ssyncadd.s32 $0xFFFFE000;
	(pc) =	sbr.rel @p0 .LBB2_15-.Ltmp8, $4  }
0x12d: {  	[spmem:s2] =	stream.indirect.scatter.add.f32 [tilespmem:s18], [sflag:$0x3], $0x20, s30, s17, $0xb8;
	[tilespmem:$0x1F800] =	vst v63  }
0x12e: {  	_ =	swait.ge [sflag:s24], $0x2000  }
0x12f: {  	[sflag:s24] =	ssyncset.done $0x0  }
0x130: {  	s29 =	sadd.s32 $0xA100, s29;
	[sflag:s24] =	ssyncadd.s32 $0xFFFFE000  }
0x131: {  	[spmem:s2] =	stream.indirect.scatter.add.f32 [tilespmem:s22], [sflag:$0x4], $0x20, s29, s17, $0xb8;
	[tilespmem:$0x1F800] =	vst v63  }
0x132: {  	_ =	swait.ge [sflag:s20], $0x2000  }
0x133: {  	[sflag:s20] =	ssyncset.done $0x0  }
0x134: {  	[sflag:s20] =	ssyncadd.s32 $0xFFFFE000  }
0x135: {  	_ =	swait.ge [sflag:s21], $0x2000  }
0x136: {  	[sflag:s21] =	ssyncset.done $0x0  }
0x137: {  	[sflag:s21] =	ssyncadd.s32 $0xFFFFE000  }
0x138: {  	[bflag:$0x0] =	sbarrier.arrive $0xFFFF  }
0x139: {  	[tilespmem:s16], [sflag:$0x5] =	stream.linear.gather [spmem:s8], $0x5000, $0x38;
	[tilespmem:$0x1F800] =	vst v63  }
0x13a: {  	_ =	swait.ge [sflag:s14], $0x5000  }
0x13b: {  	[sflag:s14] =	ssyncset.done $0x0  }
0x13c: {  	s28 =	simm.s32 $0xE010;
	[sflag:s14] =	ssyncadd.s32 $0xFFFFB000  }
0x13d: {  	s29 =	simm.s32 $0x0;
	v2 =	vld [tilespmem:s28+$0xFFFFFFF0]  }
0x13e: {  	v4 =	vld [tilespmem:s29+$0x13000]  }
0x13f: {  	v5 =	vld [tilespmem:s28+$0x0];
	_ =	sdelay $0x4  }
0x140: {  	s30 =	simm.s32 $0xE010;
	s29 =	simm.s32 $0x40;
	v3 =	vmul.f32 v2, v4;
	v2 =	vmul.f32 v5, v4  }
.LBB2_17:
0x141: {  	p0 =	sne.s32 s29, $0x9FC0  }
0x142: {  	[tilespmem:s28+$0xFFFFFFF0] =	vst v3;
	s30 =	sadd.s32 $0x20, s30;
	s31 =	smov.u32 s29;
	s29 =	sadd.s32 $0x40, s29  }
0x143: {  	s31 =	sshra.s32 s31, $0x2;
	v3 =	vld [tilespmem:s30+$0xFFFFFFF0];
	[tilespmem:s28+$0x0] =	vst v2;
	s28 =	smov.u32 s30  }
0x144: {  	v2 =	vld [tilespmem:s31+$0x13000]  }
0x145: {  	v4 =	vld [tilespmem:s30+$0x0]  }
.Ltmp9:
0x146: {  	(pc) =	sbr.rel @p0 .LBB2_17-.Ltmp9, $3  }
0x147: {  	_ =	sdelay $0x1  }
0x148: {  	v3 =	vmul.f32 v3, v2  }
0x149: {  	v2 =	vmul.f32 v4, v2  }
0x14a: {  	s29 =	sand.u32 $0x1, s26  }
0x14b: {  	p0 =	seq.s32 s29, $0x1  }
0x14c: {  	s29 =	sshrl.u32 @!p0 s26, $0x1  }
0x14d: {  	s29 =	smul.u32 @!p0 $0x50000, s29;
	_ =	sdelay $0x1  }
0x14e: {  	s29 =	sadd.s32 @!p0 s29, s12  }
0x14f: {  	[tilespmem:s28+$0xFFFFFFF0] =	vst v3;
	p1 =	seq.s32 s26, $0xA;
	s29 =	sshrl.u32 @!p0 s29, $0x3  }
0x150: {  	[tilespmem:s28+$0x0] =	vst v2;
	s30 =	simm.s32 @!p0 $0xE000;
	s28 =	sadd.s32 @!p0 s5, s29;
	s29 =	simm.s32 @!p0 $0x0  }
0x151: {  	[hbm4b:s28+s29] =	stream.linear.scatter @!p0 [tilespmem:s30], [sflag:$0x5], $0x5000, $0x38;
	[tilespmem:$0x1F800] =	vst v63  }
.Ltmp10:
0x152: {  	_ = 	snop;
	(pc) =	sbr.rel @p1 .LBB2_24-.Ltmp10, $4  }
0x153: {  	s28 =	simm.s32 @!p0 $0x5  }
0x154: {  	_ =	swait.ge @!p0 [sflag:s28], $0x5000  }
0x155: {  	[sflag:s28] =	ssyncset.done @!p0 $0x0  }
0x156: {  	[sflag:s28] =	ssyncadd.s32 @!p0 $0xFFFFB000  }
0x157: {  	s28 =	simm.s32 $0xE010  }
0x158: {  	s29 =	simm.s32 $0x0;
	v2 =	vld [tilespmem:s28+$0xFFFFFFF0]  }
0x159: {  	v4 =	vld [tilespmem:s29+$0x13000]  }
0x15a: {  	v5 =	vld [tilespmem:s28+$0x0];
	_ =	sdelay $0x4  }
0x15b: {  	s30 =	simm.s32 $0xE010;
	s29 =	simm.s32 $0x40;
	v3 =	vmul.f32 v2, v4;
	v2 =	vmul.f32 v5, v4  }
.LBB2_20:
0x15c: {  	p0 =	sne.s32 s29, $0x9FC0  }
0x15d: {  	[tilespmem:s28+$0xFFFFFFF0] =	vst v3;
	s30 =	sadd.s32 $0x20, s30;
	s31 =	smov.u32 s29;
	s29 =	sadd.s32 $0x40, s29  }
0x15e: {  	s31 =	sshra.s32 s31, $0x2;
	v3 =	vld [tilespmem:s30+$0xFFFFFFF0];
	[tilespmem:s28+$0x0] =	vst v2;
	s28 =	smov.u32 s30  }
0x15f: {  	v2 =	vld [tilespmem:s31+$0x13000]  }
0x160: {  	v4 =	vld [tilespmem:s30+$0x0]  }
.Ltmp11:
0x161: {  	(pc) =	sbr.rel @p0 .LBB2_20-.Ltmp11, $3  }
0x162: {  	_ =	sdelay $0x1  }
0x163: {  	v3 =	vmul.f32 v3, v2  }
0x164: {  	v2 =	vmul.f32 v4, v2  }
0x165: {  	[tilespmem:s28+$0xFFFFFFF0] =	vst v3  }
0x166: {  	[tilespmem:s28+$0x0] =	vst v2  }
0x167: {  	[spmem:s11] =	stream.linear.scatter [tilespmem:s16], [sflag:$0x5], $0x5000, $0x38;
	[tilespmem:$0x1F800] =	vst v63  }
0x168: {  	_ =	swait.ge [sflag:s14], $0x5000  }
0x169: {  	[sflag:s14] =	ssyncset.done $0x0  }
0x16a: {  	s29 =	simm.s32 $0x0;
	s28 =	simm.s32 $0x80;
	[sflag:s14] =	ssyncadd.s32 $0xFFFFB000  }
.LBB2_22:
0x16b: {  	p0 =	sne.s32 s28, $0x13F80;
	[tilespmem:s29+$0xE000] =	vst v0;
	s30 =	smov.u32 s28;
	s28 =	sadd.s32 $0x80, s28  }
.Ltmp12:
0x16c: {  	[tilespmem:s29+$0xE010] =	vst v0;
	(pc) =	sbr.rel @p0 .LBB2_22-.Ltmp12, $2  }
0x16d: {  	_ =	sdelay $0x2  }
0x16e: {  	s29 =	sshra.s32 s30, $0x2  }
0x16f: {  	[tilespmem:s29+$0xE000] =	vst v0  }
0x170: {  	[tilespmem:s29+$0xE010] =	vst v0  }
0x171: {  	[spmem:s8] =	stream.linear.scatter [tilespmem:s16], [sflag:$0x5], $0x5000, $0x38;
	[tilespmem:$0x1F800] =	vst v63  }
.Ltmp13:
0x172: {  	_ =	swait.ge [sflag:s14], $0x5000;
	(pc) =	sbr.rel .LBB2_14-.Ltmp13, $4  }
0x173: {  	[sflag:s14] =	ssyncset.done $0x0  }
0x174: {  	[sflag:s14] =	ssyncadd.s32 $0xFFFFB000  }
0x175: {  	[bflag:$0x0] =	sbarrier.arrive $0xFFFF  }
0x176: {  	s26 =	sadd.s32 $0x1, s26  }
.LBB2_25:
0x177: {  	_ =	sfence.sel $0x180000  }
0x178: {  	[bflag:$0x0] =	sbarrier.arrive $0xFFFF  }
0x179: {  	p0 =	sne.s32 s0, $0x0;
	_ =	strace $0x90000047  }
0x17a: {  	s0 =	sadd.s32 @!p0 $0x100000, s1;
	[bflag:$0x2] =	sbarrier.arrive $0xFFFF  }
0x17b: {  	[sflag:s0] =	ssyncadd.tile.s32 @!p0 $0x1;
	_ =	shalt  }
.Lfunc_end2:
_tile_overlayer_lowered:
.L_overlay_start_2:
0x17c: {  	(tag) =	ssettag $0x2  }
0x17d: {  	s0 =	rddreg [dreg:$0x0];
	s2 =	stileid.u32  }
0x17e: {  	s1 =	rddreg [dreg:$0x1];
	p0 =	sne.s32 s2, $0x0  }
0x17f: {  	s3 =	rddreg [dreg:$0x2];
	[bflag:$0x3] =	sbarrier.arrive $0xFFFF;
	s2 =	simm.s32 @!p0 $0x1C05  }
0x180: {  	[timem:s3], [sflag:s2] =	dma.local @!p0 [hbm:s0], s1  }
0x181: {  	s0 =	simm.s32 @!p0 $0x5  }
0x182: {  	_ =	swait.ge @!p0 [sflag:s0], s1  }
0x183: {  	s1 =	ssub.s32 @!p0 $0x0, s1;
	[sflag:s0] =	ssyncset.done @!p0 $0x0  }
0x184: {  	[sflag:s0] =	ssyncadd.s32 @!p0 s1  }
0x185: {  	[bflag:$0x3] =	sbarrier.arrive $0xFFFF  }
0x186: {  	_ =	shalt  }

</sc_bundles>
